<compile_context>
chip_gen: v7x
topology: tpu7x:2x2x1
jax: 0.10.2.dev20260603
libtpu: 0.0.44.dev20260713+nightly
codegen_flags: <defaults>
</compile_context>

<pallas_src>
import functools

import jax
import jax.numpy as jnp
from jax.experimental import pallas as pl
from jax.experimental.pallas import tpu as pltpu

_INTERPRET = False


def _densify_body(key_ref, wval_ref, bidx_ref, bval_ref, dw_ref, bias_ref,
                  *, n_oc, nnz, n_taps):
    acc = jnp.zeros((n_oc, n_taps), jnp.float32)
    iota_j = jax.lax.broadcasted_iota(jnp.int32, (n_oc, n_taps), 1)
    for k in range(nnz):
        keyk = key_ref[:, k:k + 1]
        wk = wval_ref[:, k:k + 1]
        acc = acc + jnp.where(keyk == iota_j, wk, 0.0)
    dw_ref[:, :] = acc
    iota_oc = jax.lax.broadcasted_iota(jnp.int32, (n_oc, n_oc), 0)
    mask = bidx_ref[:, :] == iota_oc
    bias_ref[:, :] = jnp.sum(jnp.where(mask, bval_ref[:, :], 0.0), axis=1,
                             keepdims=True)


def _conv_body(imga_ref, imgb_ref, dw_ref, bias_ref, out_ref, x_ref, *, n_cin,
               ks, w_img, chunk):
    bias = bias_ref[:, :]
    n_oc = out_ref.shape[1]
    x_ref[:, :chunk] = imga_ref[0, :, :].astype(jnp.bfloat16)
    x_ref[:, chunk:] = imgb_ref[0, :, :].astype(jnp.bfloat16)
    dw = dw_ref[:, :].astype(jnp.bfloat16)
    acc = jnp.zeros((n_oc, chunk), jnp.float32)
    for rc in range(ks * ks):
        r, cc = divmod(rc, ks)
        off = r * w_img + cc
        w_rc = dw[:, rc * n_cin:(rc + 1) * n_cin]
        x = x_ref[:, pl.ds(off, chunk)]
        acc = acc + jax.lax.dot_general(
            w_rc, x, (((1,), (0,)), ((), ())),
            preferred_element_type=jnp.float32)
    out_ref[0, :, :] = acc + bias


def kernel(images, weight_value, image_weight_index, image_range,
           filter_lengths, start_points, bias_index, bias_value):
    b, c_in, h, w = images.shape
    c_out = filter_lengths.shape[0]
    nnz = image_weight_index.shape[0] // c_out
    ks = 3
    h_out = (h - ks) + 1
    w_out = (w - ks) + 1
    hw = h * w
    n_taps = ks * ks * c_in

    idx = image_weight_index.reshape(c_out, nnz)
    cin = idx // hw
    rem = idx - cin * hw
    r = rem // w
    cc = rem - r * w
    key = (r * ks + cc) * c_in + cin

    wvals = weight_value.reshape(c_out, nnz)

    dense_w, bias2d = pl.pallas_call(
        functools.partial(_densify_body, n_oc=c_out, nnz=nnz, n_taps=n_taps),
        out_shape=(jax.ShapeDtypeStruct((c_out, n_taps), jnp.float32),
                   jax.ShapeDtypeStruct((c_out, 1), jnp.float32)),
        interpret=_INTERPRET,
    )(key, wvals, bias_index.reshape(1, c_out), bias_value.reshape(1, c_out))

    n_p = hw
    imgs_flat = images.reshape(b, c_in, hw)

    chunk = 7168
    n_chunks = n_p // chunk
    assert chunk * n_chunks == n_p
    tail = 512
    assert (ks - 1) * w + ks - 1 < tail and chunk % tail == 0 and hw % tail == 0
    last_tail = hw // tail - 1

    out = pl.pallas_call(
        functools.partial(_conv_body, n_cin=c_in, ks=ks, w_img=w, chunk=chunk),
        grid=(b, n_chunks),
        in_specs=[
            pl.BlockSpec((1, c_in, chunk), lambda i, j: (i, 0, j)),
            pl.BlockSpec((1, c_in, tail),
                         lambda i, j: (i, 0, jnp.minimum(
                             (j + 1) * (chunk // tail), last_tail))),
            pl.BlockSpec((c_out, n_taps), lambda i, j: (0, 0)),
            pl.BlockSpec((c_out, 1), lambda i, j: (0, 0)),
        ],
        out_specs=pl.BlockSpec((1, c_out, chunk), lambda i, j: (i, 0, j)),
        out_shape=jax.ShapeDtypeStruct((b, c_out, n_p), jnp.float32),
        scratch_shapes=[pltpu.VMEM((c_in, chunk + tail), jnp.bfloat16)],
        interpret=_INTERPRET,
    )(imgs_flat, imgs_flat, dense_w, bias2d)

    out = out[:, :, :h_out * w].reshape(b, c_out, h_out, w)[:, :, :, :w_out]
    return out

# --- scband reference (transcript-rebuilt; emitter-appended) ---
"""Pipeline reference for scband-re-conv-13529146983048 (READ-ONLY COPY).

The authoritative reference and input builder live on the scoring server;
editing this copy changes nothing except your own understanding.
"""

import jax, jax.numpy as jnp
import numpy as np

B = 4; C_IN = 96; C_OUT = 96; H = 224; W = 224; KS = 3; STRIDE = 1; NNZ = 48
H_OUT = (H - KS) // STRIDE + 1
W_OUT = (W - KS) // STRIDE + 1
P = W_OUT * W_OUT  # original kernel builds image_range as W_out x W_out (square images)


def setup_inputs(seed: int = 0) -> dict:
    key = jax.random.key(seed)
    k1, k2, k3 = jax.random.split(key, 3)
    images = jax.random.normal(k1, (B, C_IN, H, W), dtype=jnp.float32)
    # sparse filter taps: for each output channel, NNZ entries of (in_channel c, kernel row r, kernel col cc)
    rng = np.random.default_rng(0)
    c = rng.integers(0, C_IN, size=(C_OUT, NNZ))
    r = rng.integers(0, KS, size=(C_OUT, NNZ))
    cc = rng.integers(0, KS, size=(C_OUT, NNZ))
    # matches torch: image_weight_index = c * (row_size*col_size) + r * col_size + cc
    image_weight_index = jnp.asarray((c * (H * W) + r * W + cc).reshape(-1).astype(np.int32))
    weight_value = jax.random.normal(k2, (C_OUT * NNZ,), dtype=jnp.float32) * 0.05
    filter_lengths = jnp.full((C_OUT,), NNZ, dtype=jnp.int32)
    start_points = jnp.arange(C_OUT, dtype=jnp.int32) * NNZ
    w_range = np.arange(0, STRIDE * W_OUT, STRIDE, dtype=np.int32)[None, :]
    h_range = (np.arange(0, STRIDE * W_OUT, STRIDE, dtype=np.int32)[:, None]) * W
    image_range = jnp.asarray((w_range + h_range).reshape(-1))
    bias_index = jnp.arange(C_OUT, dtype=jnp.int32)
    bias_value = jax.random.normal(k3, (C_OUT,), dtype=jnp.float32) * 0.1
    return {
        'images': images,
        'weight_value': weight_value,
        'image_weight_index': image_weight_index,
        'image_range': image_range,
        'filter_lengths': filter_lengths,
        'start_points': start_points,
        'bias_index': bias_index,
        'bias_value': bias_value,
    }


def reference(images, weight_value, image_weight_index, image_range, filter_lengths, start_points, bias_index, bias_value):
    # Sparse (indexed-tap) convolution: for each output channel oc, sum over its sparse taps
    #   out[b, oc, p] = sum_k weight[oc, k] * image_flat[b, image_weight_index[oc, k] + image_range[p]] + bias[oc]
    Bn = images.shape[0]
    OC = filter_lengths.shape[0]
    Pn = image_range.shape[0]
    imgs_flat = images.reshape(Bn, -1)
    # filter_lengths is uniform and start_points contiguous, so the flat CSR-style layout is a clean reshape
    Kn = image_weight_index.shape[0] // filter_lengths.shape[0]
    idx = image_weight_index.reshape(OC, Kn)
    w = weight_value.reshape(OC, Kn)
    out = jnp.zeros((Bn, OC, Pn), dtype=jnp.float32)
    for k in range(Kn):
        gidx = idx[:, k][:, None] + image_range[None, :]  # [OC, P] gather indices
        out = out + w[:, k][None, :, None] * imgs_flat[:, gidx]
    # bias: kernel adds bias_value[j] to channel bias_index[j]
    chan_bias = jnp.zeros((OC,), jnp.float32).at[bias_index].add(bias_value)
    out = out + chan_bias[None, :, None]
    return out.reshape(Bn, OC, W_OUT, H_OUT)

if __name__ == "__main__":
    import jax
    _d = setup_inputs()
    print(jax.jit(kernel)(*tuple(_d.values())))

</pallas_src>

<mosaic_0001>
module attributes {stable_mosaic.version = 14 : i64} {
  func.func @_densify_body(%arg0: memref<96x48xi32, #tpu.memory_space<vmem>>, %arg1: memref<96x48xf32, #tpu.memory_space<vmem>>, %arg2: memref<1x96xi32, #tpu.memory_space<vmem>>, %arg3: memref<1x96xf32, #tpu.memory_space<vmem>>, %arg4: memref<96x864xf32, #tpu.memory_space<vmem>>, %arg5: memref<96x1xf32, #tpu.memory_space<vmem>>) attributes {dimension_semantics = [], scalar_prefetch = 0 : i64, scratch_operands = 0 : i64, tpu.core_type = #tpu.core_type<tc>} {
    %broadcast_in_dim3A = arith.constant 0.000000e+00 : f32
    %broadcast_in_dim3A_0 = vector.broadcast %broadcast_in_dim3A : f32 to vector<96x864xf32>
    %iota3A = tpu.iota {dimensions = array<i32: 1>} : vector<96x864xi32>
    %get3A = arith.constant 0 : index
    %get3A_1 = arith.constant 0 : index
    %get3A_2 = vector.load %arg0[%get3A, %get3A_1] : memref<96x48xi32, #tpu.memory_space<vmem>>, vector<96x1xi32>
    %get3A_3 = arith.constant 0 : index
    %get3A_4 = arith.constant 0 : index
    %get3A_5 = vector.load %arg1[%get3A_3, %get3A_4] : memref<96x48xf32, #tpu.memory_space<vmem>>, vector<96x1xf32>
    %eq3A = vector.broadcast %get3A_2 : vector<96x1xi32> to vector<96x864xi32>
    %eq3A_6 = arith.cmpi eq, %eq3A, %iota3A : vector<96x864xi32>
    %jit3A = arith.constant 0.000000e+00 : f32
    %broadcast_in_dim3A_7 = vector.shape_cast %get3A_5 : vector<96x1xf32> to vector<96x1xf32>
    %broadcast_in_dim3A_8 = vector.broadcast %broadcast_in_dim3A_7 : vector<96x1xf32> to vector<96x864xf32>
    %broadcast_in_dim3A_9 = vector.broadcast %jit3A : f32 to vector<96x864xf32>
    %select_n3A = arith.select %eq3A_6, %broadcast_in_dim3A_8, %broadcast_in_dim3A_9 : vector<96x864xi1>, vector<96x864xf32>
    %add3A = arith.addf %broadcast_in_dim3A_0, %select_n3A : vector<96x864xf32>
    %get3A_10 = arith.constant 0 : index
    %get3A_11 = arith.constant 1 : index
    %get3A_12 = vector.load %arg0[%get3A_10, %get3A_11] : memref<96x48xi32, #tpu.memory_space<vmem>>, vector<96x1xi32>
    %get3A_13 = arith.constant 0 : index
    %get3A_14 = arith.constant 1 : index
    %get3A_15 = vector.load %arg1[%get3A_13, %get3A_14] : memref<96x48xf32, #tpu.memory_space<vmem>>, vector<96x1xf32>
    %eq3A_16 = vector.broadcast %get3A_12 : vector<96x1xi32> to vector<96x864xi32>
    %eq3A_17 = arith.cmpi eq, %eq3A_16, %iota3A : vector<96x864xi32>
    %jit3A_18 = arith.constant 0.000000e+00 : f32
    %broadcast_in_dim3A_19 = vector.shape_cast %get3A_15 : vector<96x1xf32> to vector<96x1xf32>
    %broadcast_in_dim3A_20 = vector.broadcast %broadcast_in_dim3A_19 : vector<96x1xf32> to vector<96x864xf32>
    %broadcast_in_dim3A_21 = vector.broadcast %jit3A_18 : f32 to vector<96x864xf32>
    %select_n3A_22 = arith.select %eq3A_17, %broadcast_in_dim3A_20, %broadcast_in_dim3A_21 : vector<96x864xi1>, vector<96x864xf32>
    %add3A_23 = arith.addf %add3A, %select_n3A_22 : vector<96x864xf32>
    %get3A_24 = arith.constant 0 : index
    %get3A_25 = arith.constant 2 : index
    %get3A_26 = vector.load %arg0[%get3A_24, %get3A_25] : memref<96x48xi32, #tpu.memory_space<vmem>>, vector<96x1xi32>
    %get3A_27 = arith.constant 0 : index
    %get3A_28 = arith.constant 2 : index
    %get3A_29 = vector.load %arg1[%get3A_27, %get3A_28] : memref<96x48xf32, #tpu.memory_space<vmem>>, vector<96x1xf32>
    %eq3A_30 = vector.broadcast %get3A_26 : vector<96x1xi32> to vector<96x864xi32>
    %eq3A_31 = arith.cmpi eq, %eq3A_30, %iota3A : vector<96x864xi32>
    %jit3A_32 = arith.constant 0.000000e+00 : f32
    %broadcast_in_dim3A_33 = vector.shape_cast %get3A_29 : vector<96x1xf32> to vector<96x1xf32>
    %broadcast_in_dim3A_34 = vector.broadcast %broadcast_in_dim3A_33 : vector<96x1xf32> to vector<96x864xf32>
    %broadcast_in_dim3A_35 = vector.broadcast %jit3A_32 : f32 to vector<96x864xf32>
    %select_n3A_36 = arith.select %eq3A_31, %broadcast_in_dim3A_34, %broadcast_in_dim3A_35 : vector<96x864xi1>, vector<96x864xf32>
    %add3A_37 = arith.addf %add3A_23, %select_n3A_36 : vector<96x864xf32>
    %get3A_38 = arith.constant 0 : index
    %get3A_39 = arith.constant 3 : index
    %get3A_40 = vector.load %arg0[%get3A_38, %get3A_39] : memref<96x48xi32, #tpu.memory_space<vmem>>, vector<96x1xi32>
    %get3A_41 = arith.constant 0 : index
    %get3A_42 = arith.constant 3 : index
    %get3A_43 = vector.load %arg1[%get3A_41, %get3A_42] : memref<96x48xf32, #tpu.memory_space<vmem>>, vector<96x1xf32>
    %eq3A_44 = vector.broadcast %get3A_40 : vector<96x1xi32> to vector<96x864xi32>
    %eq3A_45 = arith.cmpi eq, %eq3A_44, %iota3A : vector<96x864xi32>
    %jit3A_46 = arith.constant 0.000000e+00 : f32
    %broadcast_in_dim3A_47 = vector.shape_cast %get3A_43 : vector<96x1xf32> to vector<96x1xf32>
    %broadcast_in_dim3A_48 = vector.broadcast %broadcast_in_dim3A_47 : vector<96x1xf32> to vector<96x864xf32>
    %broadcast_in_dim3A_49 = vector.broadcast %jit3A_46 : f32 to vector<96x864xf32>
    %select_n3A_50 = arith.select %eq3A_45, %broadcast_in_dim3A_48, %broadcast_in_dim3A_49 : vector<96x864xi1>, vector<96x864xf32>
    %add3A_51 = arith.addf %add3A_37, %select_n3A_50 : vector<96x864xf32>
    %get3A_52 = arith.constant 0 : index
    %get3A_53 = arith.constant 4 : index
    %get3A_54 = vector.load %arg0[%get3A_52, %get3A_53] : memref<96x48xi32, #tpu.memory_space<vmem>>, vector<96x1xi32>
    %get3A_55 = arith.constant 0 : index
    %get3A_56 = arith.constant 4 : index
    %get3A_57 = vector.load %arg1[%get3A_55, %get3A_56] : memref<96x48xf32, #tpu.memory_space<vmem>>, vector<96x1xf32>
    %eq3A_58 = vector.broadcast %get3A_54 : vector<96x1xi32> to vector<96x864xi32>
    %eq3A_59 = arith.cmpi eq, %eq3A_58, %iota3A : vector<96x864xi32>
    %jit3A_60 = arith.constant 0.000000e+00 : f32
    %broadcast_in_dim3A_61 = vector.shape_cast %get3A_57 : vector<96x1xf32> to vector<96x1xf32>
    %broadcast_in_dim3A_62 = vector.broadcast %broadcast_in_dim3A_61 : vector<96x1xf32> to vector<96x864xf32>
    %broadcast_in_dim3A_63 = vector.broadcast %jit3A_60 : f32 to vector<96x864xf32>
    %select_n3A_64 = arith.select %eq3A_59, %broadcast_in_dim3A_62, %broadcast_in_dim3A_63 : vector<96x864xi1>, vector<96x864xf32>
    %add3A_65 = arith.addf %add3A_51, %select_n3A_64 : vector<96x864xf32>
    %get3A_66 = arith.constant 0 : index
    %get3A_67 = arith.constant 5 : index
    %get3A_68 = vector.load %arg0[%get3A_66, %get3A_67] : memref<96x48xi32, #tpu.memory_space<vmem>>, vector<96x1xi32>
    %get3A_69 = arith.constant 0 : index
    %get3A_70 = arith.constant 5 : index
    %get3A_71 = vector.load %arg1[%get3A_69, %get3A_70] : memref<96x48xf32, #tpu.memory_space<vmem>>, vector<96x1xf32>
    %eq3A_72 = vector.broadcast %get3A_68 : vector<96x1xi32> to vector<96x864xi32>
    %eq3A_73 = arith.cmpi eq, %eq3A_72, %iota3A : vector<96x864xi32>
    %jit3A_74 = arith.constant 0.000000e+00 : f32
    %broadcast_in_dim3A_75 = vector.shape_cast %get3A_71 : vector<96x1xf32> to vector<96x1xf32>
    %broadcast_in_dim3A_76 = vector.broadcast %broadcast_in_dim3A_75 : vector<96x1xf32> to vector<96x864xf32>
    %broadcast_in_dim3A_77 = vector.broadcast %jit3A_74 : f32 to vector<96x864xf32>
    %select_n3A_78 = arith.select %eq3A_73, %broadcast_in_dim3A_76, %broadcast_in_dim3A_77 : vector<96x864xi1>, vector<96x864xf32>
    %add3A_79 = arith.addf %add3A_65, %select_n3A_78 : vector<96x864xf32>
    %get3A_80 = arith.constant 0 : index
    %get3A_81 = arith.constant 6 : index
    %get3A_82 = vector.load %arg0[%get3A_80, %get3A_81] : memref<96x48xi32, #tpu.memory_space<vmem>>, vector<96x1xi32>
    %get3A_83 = arith.constant 0 : index
    %get3A_84 = arith.constant 6 : index
    %get3A_85 = vector.load %arg1[%get3A_83, %get3A_84] : memref<96x48xf32, #tpu.memory_space<vmem>>, vector<96x1xf32>
    %eq3A_86 = vector.broadcast %get3A_82 : vector<96x1xi32> to vector<96x864xi32>
    %eq3A_87 = arith.cmpi eq, %eq3A_86, %iota3A : vector<96x864xi32>
    %jit3A_88 = arith.constant 0.000000e+00 : f32
    %broadcast_in_dim3A_89 = vector.shape_cast %get3A_85 : vector<96x1xf32> to vector<96x1xf32>
    %broadcast_in_dim3A_90 = vector.broadcast %broadcast_in_dim3A_89 : vector<96x1xf32> to vector<96x864xf32>
    %broadcast_in_dim3A_91 = vector.broadcast %jit3A_88 : f32 to vector<96x864xf32>
    %select_n3A_92 = arith.select %eq3A_87, %broadcast_in_dim3A_90, %broadcast_in_dim3A_91 : vector<96x864xi1>, vector<96x864xf32>
    %add3A_93 = arith.addf %add3A_79, %select_n3A_92 : vector<96x864xf32>
    %get3A_94 = arith.constant 0 : index
    %get3A_95 = arith.constant 7 : index
    %get3A_96 = vector.load %arg0[%get3A_94, %get3A_95] : memref<96x48xi32, #tpu.memory_space<vmem>>, vector<96x1xi32>
    %get3A_97 = arith.constant 0 : index
    %get3A_98 = arith.constant 7 : index
    %get3A_99 = vector.load %arg1[%get3A_97, %get3A_98] : memref<96x48xf32, #tpu.memory_space<vmem>>, vector<96x1xf32>
    %eq3A_100 = vector.broadcast %get3A_96 : vector<96x1xi32> to vector<96x864xi32>
    %eq3A_101 = arith.cmpi eq, %eq3A_100, %iota3A : vector<96x864xi32>
    %jit3A_102 = arith.constant 0.000000e+00 : f32
    %broadcast_in_dim3A_103 = vector.shape_cast %get3A_99 : vector<96x1xf32> to vector<96x1xf32>
    %broadcast_in_dim3A_104 = vector.broadcast %broadcast_in_dim3A_103 : vector<96x1xf32> to vector<96x864xf32>
    %broadcast_in_dim3A_105 = vector.broadcast %jit3A_102 : f32 to vector<96x864xf32>
    %select_n3A_106 = arith.select %eq3A_101, %broadcast_in_dim3A_104, %broadcast_in_dim3A_105 : vector<96x864xi1>, vector<96x864xf32>
    %add3A_107 = arith.addf %add3A_93, %select_n3A_106 : vector<96x864xf32>
    %get3A_108 = arith.constant 0 : index
    %get3A_109 = arith.constant 8 : index
    %get3A_110 = vector.load %arg0[%get3A_108, %get3A_109] : memref<96x48xi32, #tpu.memory_space<vmem>>, vector<96x1xi32>
    %get3A_111 = arith.constant 0 : index
    %get3A_112 = arith.constant 8 : index
    %get3A_113 = vector.load %arg1[%get3A_111, %get3A_112] : memref<96x48xf32, #tpu.memory_space<vmem>>, vector<96x1xf32>
    %eq3A_114 = vector.broadcast %get3A_110 : vector<96x1xi32> to vector<96x864xi32>
    %eq3A_115 = arith.cmpi eq, %eq3A_114, %iota3A : vector<96x864xi32>
    %jit3A_116 = arith.constant 0.000000e+00 : f32
    %broadcast_in_dim3A_117 = vector.shape_cast %get3A_113 : vector<96x1xf32> to vector<96x1xf32>
    %broadcast_in_dim3A_118 = vector.broadcast %broadcast_in_dim3A_117 : vector<96x1xf32> to vector<96x864xf32>
    %broadcast_in_dim3A_119 = vector.broadcast %jit3A_116 : f32 to vector<96x864xf32>
    %select_n3A_120 = arith.select %eq3A_115, %broadcast_in_dim3A_118, %broadcast_in_dim3A_119 : vector<96x864xi1>, vector<96x864xf32>
    %add3A_121 = arith.addf %add3A_107, %select_n3A_120 : vector<96x864xf32>
    %get3A_122 = arith.constant 0 : index
    %get3A_123 = arith.constant 9 : index
    %get3A_124 = vector.load %arg0[%get3A_122, %get3A_123] : memref<96x48xi32, #tpu.memory_space<vmem>>, vector<96x1xi32>
    %get3A_125 = arith.constant 0 : index
    %get3A_126 = arith.constant 9 : index
    %get3A_127 = vector.load %arg1[%get3A_125, %get3A_126] : memref<96x48xf32, #tpu.memory_space<vmem>>, vector<96x1xf32>
    %eq3A_128 = vector.broadcast %get3A_124 : vector<96x1xi32> to vector<96x864xi32>
    %eq3A_129 = arith.cmpi eq, %eq3A_128, %iota3A : vector<96x864xi32>
    %jit3A_130 = arith.constant 0.000000e+00 : f32
    %broadcast_in_dim3A_131 = vector.shape_cast %get3A_127 : vector<96x1xf32> to vector<96x1xf32>
    %broadcast_in_dim3A_132 = vector.broadcast %broadcast_in_dim3A_131 : vector<96x1xf32> to vector<96x864xf32>
    %broadcast_in_dim3A_133 = vector.broadcast %jit3A_130 : f32 to vector<96x864xf32>
    %select_n3A_134 = arith.select %eq3A_129, %broadcast_in_dim3A_132, %broadcast_in_dim3A_133 : vector<96x864xi1>, vector<96x864xf32>
    %add3A_135 = arith.addf %add3A_121, %select_n3A_134 : vector<96x864xf32>
    %get3A_136 = arith.constant 0 : index
    %get3A_137 = arith.constant 10 : index
    %get3A_138 = vector.load %arg0[%get3A_136, %get3A_137] : memref<96x48xi32, #tpu.memory_space<vmem>>, vector<96x1xi32>
    %get3A_139 = arith.constant 0 : index
    %get3A_140 = arith.constant 10 : index
    %get3A_141 = vector.load %arg1[%get3A_139, %get3A_140] : memref<96x48xf32, #tpu.memory_space<vmem>>, vector<96x1xf32>
    %eq3A_142 = vector.broadcast %get3A_138 : vector<96x1xi32> to vector<96x864xi32>
    %eq3A_143 = arith.cmpi eq, %eq3A_142, %iota3A : vector<96x864xi32>
    %jit3A_144 = arith.constant 0.000000e+00 : f32
    %broadcast_in_dim3A_145 = vector.shape_cast %get3A_141 : vector<96x1xf32> to vector<96x1xf32>
    %broadcast_in_dim3A_146 = vector.broadcast %broadcast_in_dim3A_145 : vector<96x1xf32> to vector<96x864xf32>
    %broadcast_in_dim3A_147 = vector.broadcast %jit3A_144 : f32 to vector<96x864xf32>
    %select_n3A_148 = arith.select %eq3A_143, %broadcast_in_dim3A_146, %broadcast_in_dim3A_147 : vector<96x864xi1>, vector<96x864xf32>
    %add3A_149 = arith.addf %add3A_135, %select_n3A_148 : vector<96x864xf32>
    %get3A_150 = arith.constant 0 : index
    %get3A_151 = arith.constant 11 : index
    %get3A_152 = vector.load %arg0[%get3A_150, %get3A_151] : memref<96x48xi32, #tpu.memory_space<vmem>>, vector<96x1xi32>
    %get3A_153 = arith.constant 0 : index
    %get3A_154 = arith.constant 11 : index
    %get3A_155 = vector.load %arg1[%get3A_153, %get3A_154] : memref<96x48xf32, #tpu.memory_space<vmem>>, vector<96x1xf32>
    %eq3A_156 = vector.broadcast %get3A_152 : vector<96x1xi32> to vector<96x864xi32>
    %eq3A_157 = arith.cmpi eq, %eq3A_156, %iota3A : vector<96x864xi32>
    %jit3A_158 = arith.constant 0.000000e+00 : f32
    %broadcast_in_dim3A_159 = vector.shape_cast %get3A_155 : vector<96x1xf32> to vector<96x1xf32>
    %broadcast_in_dim3A_160 = vector.broadcast %broadcast_in_dim3A_159 : vector<96x1xf32> to vector<96x864xf32>
    %broadcast_in_dim3A_161 = vector.broadcast %jit3A_158 : f32 to vector<96x864xf32>
    %select_n3A_162 = arith.select %eq3A_157, %broadcast_in_dim3A_160, %broadcast_in_dim3A_161 : vector<96x864xi1>, vector<96x864xf32>
    %add3A_163 = arith.addf %add3A_149, %select_n3A_162 : vector<96x864xf32>
    %get3A_164 = arith.constant 0 : index
    %get3A_165 = arith.constant 12 : index
    %get3A_166 = vector.load %arg0[%get3A_164, %get3A_165] : memref<96x48xi32, #tpu.memory_space<vmem>>, vector<96x1xi32>
    %get3A_167 = arith.constant 0 : index
    %get3A_168 = arith.constant 12 : index
    %get3A_169 = vector.load %arg1[%get3A_167, %get3A_168] : memref<96x48xf32, #tpu.memory_space<vmem>>, vector<96x1xf32>
    %eq3A_170 = vector.broadcast %get3A_166 : vector<96x1xi32> to vector<96x864xi32>
    %eq3A_171 = arith.cmpi eq, %eq3A_170, %iota3A : vector<96x864xi32>
    %jit3A_172 = arith.constant 0.000000e+00 : f32
    %broadcast_in_dim3A_173 = vector.shape_cast %get3A_169 : vector<96x1xf32> to vector<96x1xf32>
    %broadcast_in_dim3A_174 = vector.broadcast %broadcast_in_dim3A_173 : vector<96x1xf32> to vector<96x864xf32>
    %broadcast_in_dim3A_175 = vector.broadcast %jit3A_172 : f32 to vector<96x864xf32>
    %select_n3A_176 = arith.select %eq3A_171, %broadcast_in_dim3A_174, %broadcast_in_dim3A_175 : vector<96x864xi1>, vector<96x864xf32>
    %add3A_177 = arith.addf %add3A_163, %select_n3A_176 : vector<96x864xf32>
    %get3A_178 = arith.constant 0 : index
    %get3A_179 = arith.constant 13 : index
    %get3A_180 = vector.load %arg0[%get3A_178, %get3A_179] : memref<96x48xi32, #tpu.memory_space<vmem>>, vector<96x1xi32>
    %get3A_181 = arith.constant 0 : index
    %get3A_182 = arith.constant 13 : index
    %get3A_183 = vector.load %arg1[%get3A_181, %get3A_182] : memref<96x48xf32, #tpu.memory_space<vmem>>, vector<96x1xf32>
    %eq3A_184 = vector.broadcast %get3A_180 : vector<96x1xi32> to vector<96x864xi32>
    %eq3A_185 = arith.cmpi eq, %eq3A_184, %iota3A : vector<96x864xi32>
    %jit3A_186 = arith.constant 0.000000e+00 : f32
    %broadcast_in_dim3A_187 = vector.shape_cast %get3A_183 : vector<96x1xf32> to vector<96x1xf32>
    %broadcast_in_dim3A_188 = vector.broadcast %broadcast_in_dim3A_187 : vector<96x1xf32> to vector<96x864xf32>
    %broadcast_in_dim3A_189 = vector.broadcast %jit3A_186 : f32 to vector<96x864xf32>
    %select_n3A_190 = arith.select %eq3A_185, %broadcast_in_dim3A_188, %broadcast_in_dim3A_189 : vector<96x864xi1>, vector<96x864xf32>
    %add3A_191 = arith.addf %add3A_177, %select_n3A_190 : vector<96x864xf32>
    %get3A_192 = arith.constant 0 : index
    %get3A_193 = arith.constant 14 : index
    %get3A_194 = vector.load %arg0[%get3A_192, %get3A_193] : memref<96x48xi32, #tpu.memory_space<vmem>>, vector<96x1xi32>
    %get3A_195 = arith.constant 0 : index
    %get3A_196 = arith.constant 14 : index
    %get3A_197 = vector.load %arg1[%get3A_195, %get3A_196] : memref<96x48xf32, #tpu.memory_space<vmem>>, vector<96x1xf32>
    %eq3A_198 = vector.broadcast %get3A_194 : vector<96x1xi32> to vector<96x864xi32>
    %eq3A_199 = arith.cmpi eq, %eq3A_198, %iota3A : vector<96x864xi32>
    %jit3A_200 = arith.constant 0.000000e+00 : f32
    %broadcast_in_dim3A_201 = vector.shape_cast %get3A_197 : vector<96x1xf32> to vector<96x1xf32>
    %broadcast_in_dim3A_202 = vector.broadcast %broadcast_in_dim3A_201 : vector<96x1xf32> to vector<96x864xf32>
    %broadcast_in_dim3A_203 = vector.broadcast %jit3A_200 : f32 to vector<96x864xf32>
    %select_n3A_204 = arith.select %eq3A_199, %broadcast_in_dim3A_202, %broadcast_in_dim3A_203 : vector<96x864xi1>, vector<96x864xf32>
    %add3A_205 = arith.addf %add3A_191, %select_n3A_204 : vector<96x864xf32>
    %get3A_206 = arith.constant 0 : index
    %get3A_207 = arith.constant 15 : index
    %get3A_208 = vector.load %arg0[%get3A_206, %get3A_207] : memref<96x48xi32, #tpu.memory_space<vmem>>, vector<96x1xi32>
    %get3A_209 = arith.constant 0 : index
    %get3A_210 = arith.constant 15 : index
    %get3A_211 = vector.load %arg1[%get3A_209, %get3A_210] : memref<96x48xf32, #tpu.memory_space<vmem>>, vector<96x1xf32>
    %eq3A_212 = vector.broadcast %get3A_208 : vector<96x1xi32> to vector<96x864xi32>
    %eq3A_213 = arith.cmpi eq, %eq3A_212, %iota3A : vector<96x864xi32>
    %jit3A_214 = arith.constant 0.000000e+00 : f32
    %broadcast_in_dim3A_215 = vector.shape_cast %get3A_211 : vector<96x1xf32> to vector<96x1xf32>
    %broadcast_in_dim3A_216 = vector.broadcast %broadcast_in_dim3A_215 : vector<96x1xf32> to vector<96x864xf32>
    %broadcast_in_dim3A_217 = vector.broadcast %jit3A_214 : f32 to vector<96x864xf32>
    %select_n3A_218 = arith.select %eq3A_213, %broadcast_in_dim3A_216, %broadcast_in_dim3A_217 : vector<96x864xi1>, vector<96x864xf32>
    %add3A_219 = arith.addf %add3A_205, %select_n3A_218 : vector<96x864xf32>
    %get3A_220 = arith.constant 0 : index
    %get3A_221 = arith.constant 16 : index
    %get3A_222 = vector.load %arg0[%get3A_220, %get3A_221] : memref<96x48xi32, #tpu.memory_space<vmem>>, vector<96x1xi32>
    %get3A_223 = arith.constant 0 : index
    %get3A_224 = arith.constant 16 : index
    %get3A_225 = vector.load %arg1[%get3A_223, %get3A_224] : memref<96x48xf32, #tpu.memory_space<vmem>>, vector<96x1xf32>
    %eq3A_226 = vector.broadcast %get3A_222 : vector<96x1xi32> to vector<96x864xi32>
    %eq3A_227 = arith.cmpi eq, %eq3A_226, %iota3A : vector<96x864xi32>
    %jit3A_228 = arith.constant 0.000000e+00 : f32
    %broadcast_in_dim3A_229 = vector.shape_cast %get3A_225 : vector<96x1xf32> to vector<96x1xf32>
    %broadcast_in_dim3A_230 = vector.broadcast %broadcast_in_dim3A_229 : vector<96x1xf32> to vector<96x864xf32>
    %broadcast_in_dim3A_231 = vector.broadcast %jit3A_228 : f32 to vector<96x864xf32>
    %select_n3A_232 = arith.select %eq3A_227, %broadcast_in_dim3A_230, %broadcast_in_dim3A_231 : vector<96x864xi1>, vector<96x864xf32>
    %add3A_233 = arith.addf %add3A_219, %select_n3A_232 : vector<96x864xf32>
    %get3A_234 = arith.constant 0 : index
    %get3A_235 = arith.constant 17 : index
    %get3A_236 = vector.load %arg0[%get3A_234, %get3A_235] : memref<96x48xi32, #tpu.memory_space<vmem>>, vector<96x1xi32>
    %get3A_237 = arith.constant 0 : index
    %get3A_238 = arith.constant 17 : index
    %get3A_239 = vector.load %arg1[%get3A_237, %get3A_238] : memref<96x48xf32, #tpu.memory_space<vmem>>, vector<96x1xf32>
    %eq3A_240 = vector.broadcast %get3A_236 : vector<96x1xi32> to vector<96x864xi32>
    %eq3A_241 = arith.cmpi eq, %eq3A_240, %iota3A : vector<96x864xi32>
    %jit3A_242 = arith.constant 0.000000e+00 : f32
    %broadcast_in_dim3A_243 = vector.shape_cast %get3A_239 : vector<96x1xf32> to vector<96x1xf32>
    %broadcast_in_dim3A_244 = vector.broadcast %broadcast_in_dim3A_243 : vector<96x1xf32> to vector<96x864xf32>
    %broadcast_in_dim3A_245 = vector.broadcast %jit3A_242 : f32 to vector<96x864xf32>
    %select_n3A_246 = arith.select %eq3A_241, %broadcast_in_dim3A_244, %broadcast_in_dim3A_245 : vector<96x864xi1>, vector<96x864xf32>
    %add3A_247 = arith.addf %add3A_233, %select_n3A_246 : vector<96x864xf32>
    %get3A_248 = arith.constant 0 : index
    %get3A_249 = arith.constant 18 : index
    %get3A_250 = vector.load %arg0[%get3A_248, %get3A_249] : memref<96x48xi32, #tpu.memory_space<vmem>>, vector<96x1xi32>
    %get3A_251 = arith.constant 0 : index
    %get3A_252 = arith.constant 18 : index
    %get3A_253 = vector.load %arg1[%get3A_251, %get3A_252] : memref<96x48xf32, #tpu.memory_space<vmem>>, vector<96x1xf32>
    %eq3A_254 = vector.broadcast %get3A_250 : vector<96x1xi32> to vector<96x864xi32>
    %eq3A_255 = arith.cmpi eq, %eq3A_254, %iota3A : vector<96x864xi32>
    %jit3A_256 = arith.constant 0.000000e+00 : f32
    %broadcast_in_dim3A_257 = vector.shape_cast %get3A_253 : vector<96x1xf32> to vector<96x1xf32>
    %broadcast_in_dim3A_258 = vector.broadcast %broadcast_in_dim3A_257 : vector<96x1xf32> to vector<96x864xf32>
    %broadcast_in_dim3A_259 = vector.broadcast %jit3A_256 : f32 to vector<96x864xf32>
    %select_n3A_260 = arith.select %eq3A_255, %broadcast_in_dim3A_258, %broadcast_in_dim3A_259 : vector<96x864xi1>, vector<96x864xf32>
    %add3A_261 = arith.addf %add3A_247, %select_n3A_260 : vector<96x864xf32>
    %get3A_262 = arith.constant 0 : index
    %get3A_263 = arith.constant 19 : index
    %get3A_264 = vector.load %arg0[%get3A_262, %get3A_263] : memref<96x48xi32, #tpu.memory_space<vmem>>, vector<96x1xi32>
    %get3A_265 = arith.constant 0 : index
    %get3A_266 = arith.constant 19 : index
    %get3A_267 = vector.load %arg1[%get3A_265, %get3A_266] : memref<96x48xf32, #tpu.memory_space<vmem>>, vector<96x1xf32>
    %eq3A_268 = vector.broadcast %get3A_264 : vector<96x1xi32> to vector<96x864xi32>
    %eq3A_269 = arith.cmpi eq, %eq3A_268, %iota3A : vector<96x864xi32>
    %jit3A_270 = arith.constant 0.000000e+00 : f32
    %broadcast_in_dim3A_271 = vector.shape_cast %get3A_267 : vector<96x1xf32> to vector<96x1xf32>
    %broadcast_in_dim3A_272 = vector.broadcast %broadcast_in_dim3A_271 : vector<96x1xf32> to vector<96x864xf32>
    %broadcast_in_dim3A_273 = vector.broadcast %jit3A_270 : f32 to vector<96x864xf32>
    %select_n3A_274 = arith.select %eq3A_269, %broadcast_in_dim3A_272, %broadcast_in_dim3A_273 : vector<96x864xi1>, vector<96x864xf32>
    %add3A_275 = arith.addf %add3A_261, %select_n3A_274 : vector<96x864xf32>
    %get3A_276 = arith.constant 0 : index
    %get3A_277 = arith.constant 20 : index
    %get3A_278 = vector.load %arg0[%get3A_276, %get3A_277] : memref<96x48xi32, #tpu.memory_space<vmem>>, vector<96x1xi32>
    %get3A_279 = arith.constant 0 : index
    %get3A_280 = arith.constant 20 : index
    %get3A_281 = vector.load %arg1[%get3A_279, %get3A_280] : memref<96x48xf32, #tpu.memory_space<vmem>>, vector<96x1xf32>
    %eq3A_282 = vector.broadcast %get3A_278 : vector<96x1xi32> to vector<96x864xi32>
    %eq3A_283 = arith.cmpi eq, %eq3A_282, %iota3A : vector<96x864xi32>
    %jit3A_284 = arith.constant 0.000000e+00 : f32
    %broadcast_in_dim3A_285 = vector.shape_cast %get3A_281 : vector<96x1xf32> to vector<96x1xf32>
    %broadcast_in_dim3A_286 = vector.broadcast %broadcast_in_dim3A_285 : vector<96x1xf32> to vector<96x864xf32>
    %broadcast_in_dim3A_287 = vector.broadcast %jit3A_284 : f32 to vector<96x864xf32>
    %select_n3A_288 = arith.select %eq3A_283, %broadcast_in_dim3A_286, %broadcast_in_dim3A_287 : vector<96x864xi1>, vector<96x864xf32>
    %add3A_289 = arith.addf %add3A_275, %select_n3A_288 : vector<96x864xf32>
    %get3A_290 = arith.constant 0 : index
    %get3A_291 = arith.constant 21 : index
    %get3A_292 = vector.load %arg0[%get3A_290, %get3A_291] : memref<96x48xi32, #tpu.memory_space<vmem>>, vector<96x1xi32>
    %get3A_293 = arith.constant 0 : index
    %get3A_294 = arith.constant 21 : index
    %get3A_295 = vector.load %arg1[%get3A_293, %get3A_294] : memref<96x48xf32, #tpu.memory_space<vmem>>, vector<96x1xf32>
    %eq3A_296 = vector.broadcast %get3A_292 : vector<96x1xi32> to vector<96x864xi32>
    %eq3A_297 = arith.cmpi eq, %eq3A_296, %iota3A : vector<96x864xi32>
    %jit3A_298 = arith.constant 0.000000e+00 : f32
    %broadcast_in_dim3A_299 = vector.shape_cast %get3A_295 : vector<96x1xf32> to vector<96x1xf32>
    %broadcast_in_dim3A_300 = vector.broadcast %broadcast_in_dim3A_299 : vector<96x1xf32> to vector<96x864xf32>
    %broadcast_in_dim3A_301 = vector.broadcast %jit3A_298 : f32 to vector<96x864xf32>
    %select_n3A_302 = arith.select %eq3A_297, %broadcast_in_dim3A_300, %broadcast_in_dim3A_301 : vector<96x864xi1>, vector<96x864xf32>
    %add3A_303 = arith.addf %add3A_289, %select_n3A_302 : vector<96x864xf32>
    %get3A_304 = arith.constant 0 : index
    %get3A_305 = arith.constant 22 : index
    %get3A_306 = vector.load %arg0[%get3A_304, %get3A_305] : memref<96x48xi32, #tpu.memory_space<vmem>>, vector<96x1xi32>
    %get3A_307 = arith.constant 0 : index
    %get3A_308 = arith.constant 22 : index
    %get3A_309 = vector.load %arg1[%get3A_307, %get3A_308] : memref<96x48xf32, #tpu.memory_space<vmem>>, vector<96x1xf32>
    %eq3A_310 = vector.broadcast %get3A_306 : vector<96x1xi32> to vector<96x864xi32>
    %eq3A_311 = arith.cmpi eq, %eq3A_310, %iota3A : vector<96x864xi32>
    %jit3A_312 = arith.constant 0.000000e+00 : f32
    %broadcast_in_dim3A_313 = vector.shape_cast %get3A_309 : vector<96x1xf32> to vector<96x1xf32>
    %broadcast_in_dim3A_314 = vector.broadcast %broadcast_in_dim3A_313 : vector<96x1xf32> to vector<96x864xf32>
    %broadcast_in_dim3A_315 = vector.broadcast %jit3A_312 : f32 to vector<96x864xf32>
    %select_n3A_316 = arith.select %eq3A_311, %broadcast_in_dim3A_314, %broadcast_in_dim3A_315 : vector<96x864xi1>, vector<96x864xf32>
    %add3A_317 = arith.addf %add3A_303, %select_n3A_316 : vector<96x864xf32>
    %get3A_318 = arith.constant 0 : index
    %get3A_319 = arith.constant 23 : index
    %get3A_320 = vector.load %arg0[%get3A_318, %get3A_319] : memref<96x48xi32, #tpu.memory_space<vmem>>, vector<96x1xi32>
    %get3A_321 = arith.constant 0 : index
    %get3A_322 = arith.constant 23 : index
    %get3A_323 = vector.load %arg1[%get3A_321, %get3A_322] : memref<96x48xf32, #tpu.memory_space<vmem>>, vector<96x1xf32>
    %eq3A_324 = vector.broadcast %get3A_320 : vector<96x1xi32> to vector<96x864xi32>
    %eq3A_325 = arith.cmpi eq, %eq3A_324, %iota3A : vector<96x864xi32>
    %jit3A_326 = arith.constant 0.000000e+00 : f32
    %broadcast_in_dim3A_327 = vector.shape_cast %get3A_323 : vector<96x1xf32> to vector<96x1xf32>
    %broadcast_in_dim3A_328 = vector.broadcast %broadcast_in_dim3A_327 : vector<96x1xf32> to vector<96x864xf32>
    %broadcast_in_dim3A_329 = vector.broadcast %jit3A_326 : f32 to vector<96x864xf32>
    %select_n3A_330 = arith.select %eq3A_325, %broadcast_in_dim3A_328, %broadcast_in_dim3A_329 : vector<96x864xi1>, vector<96x864xf32>
    %add3A_331 = arith.addf %add3A_317, %select_n3A_330 : vector<96x864xf32>
    %get3A_332 = arith.constant 0 : index
    %get3A_333 = arith.constant 24 : index
    %get3A_334 = vector.load %arg0[%get3A_332, %get3A_333] : memref<96x48xi32, #tpu.memory_space<vmem>>, vector<96x1xi32>
    %get3A_335 = arith.constant 0 : index
    %get3A_336 = arith.constant 24 : index
    %get3A_337 = vector.load %arg1[%get3A_335, %get3A_336] : memref<96x48xf32, #tpu.memory_space<vmem>>, vector<96x1xf32>
    %eq3A_338 = vector.broadcast %get3A_334 : vector<96x1xi32> to vector<96x864xi32>
    %eq3A_339 = arith.cmpi eq, %eq3A_338, %iota3A : vector<96x864xi32>
    %jit3A_340 = arith.constant 0.000000e+00 : f32
    %broadcast_in_dim3A_341 = vector.shape_cast %get3A_337 : vector<96x1xf32> to vector<96x1xf32>
    %broadcast_in_dim3A_342 = vector.broadcast %broadcast_in_dim3A_341 : vector<96x1xf32> to vector<96x864xf32>
    %broadcast_in_dim3A_343 = vector.broadcast %jit3A_340 : f32 to vector<96x864xf32>
    %select_n3A_344 = arith.select %eq3A_339, %broadcast_in_dim3A_342, %broadcast_in_dim3A_343 : vector<96x864xi1>, vector<96x864xf32>
    %add3A_345 = arith.addf %add3A_331, %select_n3A_344 : vector<96x864xf32>
    %get3A_346 = arith.constant 0 : index
    %get3A_347 = arith.constant 25 : index
    %get3A_348 = vector.load %arg0[%get3A_346, %get3A_347] : memref<96x48xi32, #tpu.memory_space<vmem>>, vector<96x1xi32>
    %get3A_349 = arith.constant 0 : index
    %get3A_350 = arith.constant 25 : index
    %get3A_351 = vector.load %arg1[%get3A_349, %get3A_350] : memref<96x48xf32, #tpu.memory_space<vmem>>, vector<96x1xf32>
    %eq3A_352 = vector.broadcast %get3A_348 : vector<96x1xi32> to vector<96x864xi32>
    %eq3A_353 = arith.cmpi eq, %eq3A_352, %iota3A : vector<96x864xi32>
    %jit3A_354 = arith.constant 0.000000e+00 : f32
    %broadcast_in_dim3A_355 = vector.shape_cast %get3A_351 : vector<96x1xf32> to vector<96x1xf32>
    %broadcast_in_dim3A_356 = vector.broadcast %broadcast_in_dim3A_355 : vector<96x1xf32> to vector<96x864xf32>
    %broadcast_in_dim3A_357 = vector.broadcast %jit3A_354 : f32 to vector<96x864xf32>
    %select_n3A_358 = arith.select %eq3A_353, %broadcast_in_dim3A_356, %broadcast_in_dim3A_357 : vector<96x864xi1>, vector<96x864xf32>
    %add3A_359 = arith.addf %add3A_345, %select_n3A_358 : vector<96x864xf32>
    %get3A_360 = arith.constant 0 : index
    %get3A_361 = arith.constant 26 : index
    %get3A_362 = vector.load %arg0[%get3A_360, %get3A_361] : memref<96x48xi32, #tpu.memory_space<vmem>>, vector<96x1xi32>
    %get3A_363 = arith.constant 0 : index
    %get3A_364 = arith.constant 26 : index
    %get3A_365 = vector.load %arg1[%get3A_363, %get3A_364] : memref<96x48xf32, #tpu.memory_space<vmem>>, vector<96x1xf32>
    %eq3A_366 = vector.broadcast %get3A_362 : vector<96x1xi32> to vector<96x864xi32>
    %eq3A_367 = arith.cmpi eq, %eq3A_366, %iota3A : vector<96x864xi32>
    %jit3A_368 = arith.constant 0.000000e+00 : f32
    %broadcast_in_dim3A_369 = vector.shape_cast %get3A_365 : vector<96x1xf32> to vector<96x1xf32>
    %broadcast_in_dim3A_370 = vector.broadcast %broadcast_in_dim3A_369 : vector<96x1xf32> to vector<96x864xf32>
    %broadcast_in_dim3A_371 = vector.broadcast %jit3A_368 : f32 to vector<96x864xf32>
    %select_n3A_372 = arith.select %eq3A_367, %broadcast_in_dim3A_370, %broadcast_in_dim3A_371 : vector<96x864xi1>, vector<96x864xf32>
    %add3A_373 = arith.addf %add3A_359, %select_n3A_372 : vector<96x864xf32>
    %get3A_374 = arith.constant 0 : index
    %get3A_375 = arith.constant 27 : index
    %get3A_376 = vector.load %arg0[%get3A_374, %get3A_375] : memref<96x48xi32, #tpu.memory_space<vmem>>, vector<96x1xi32>
    %get3A_377 = arith.constant 0 : index
    %get3A_378 = arith.constant 27 : index
    %get3A_379 = vector.load %arg1[%get3A_377, %get3A_378] : memref<96x48xf32, #tpu.memory_space<vmem>>, vector<96x1xf32>
    %eq3A_380 = vector.broadcast %get3A_376 : vector<96x1xi32> to vector<96x864xi32>
    %eq3A_381 = arith.cmpi eq, %eq3A_380, %iota3A : vector<96x864xi32>
    %jit3A_382 = arith.constant 0.000000e+00 : f32
    %broadcast_in_dim3A_383 = vector.shape_cast %get3A_379 : vector<96x1xf32> to vector<96x1xf32>
    %broadcast_in_dim3A_384 = vector.broadcast %broadcast_in_dim3A_383 : vector<96x1xf32> to vector<96x864xf32>
    %broadcast_in_dim3A_385 = vector.broadcast %jit3A_382 : f32 to vector<96x864xf32>
    %select_n3A_386 = arith.select %eq3A_381, %broadcast_in_dim3A_384, %broadcast_in_dim3A_385 : vector<96x864xi1>, vector<96x864xf32>
    %add3A_387 = arith.addf %add3A_373, %select_n3A_386 : vector<96x864xf32>
    %get3A_388 = arith.constant 0 : index
    %get3A_389 = arith.constant 28 : index
    %get3A_390 = vector.load %arg0[%get3A_388, %get3A_389] : memref<96x48xi32, #tpu.memory_space<vmem>>, vector<96x1xi32>
    %get3A_391 = arith.constant 0 : index
    %get3A_392 = arith.constant 28 : index
    %get3A_393 = vector.load %arg1[%get3A_391, %get3A_392] : memref<96x48xf32, #tpu.memory_space<vmem>>, vector<96x1xf32>
    %eq3A_394 = vector.broadcast %get3A_390 : vector<96x1xi32> to vector<96x864xi32>
    %eq3A_395 = arith.cmpi eq, %eq3A_394, %iota3A : vector<96x864xi32>
    %jit3A_396 = arith.constant 0.000000e+00 : f32
    %broadcast_in_dim3A_397 = vector.shape_cast %get3A_393 : vector<96x1xf32> to vector<96x1xf32>
    %broadcast_in_dim3A_398 = vector.broadcast %broadcast_in_dim3A_397 : vector<96x1xf32> to vector<96x864xf32>
    %broadcast_in_dim3A_399 = vector.broadcast %jit3A_396 : f32 to vector<96x864xf32>
    %select_n3A_400 = arith.select %eq3A_395, %broadcast_in_dim3A_398, %broadcast_in_dim3A_399 : vector<96x864xi1>, vector<96x864xf32>
    %add3A_401 = arith.addf %add3A_387, %select_n3A_400 : vector<96x864xf32>
    %get3A_402 = arith.constant 0 : index
    %get3A_403 = arith.constant 29 : index
    %get3A_404 = vector.load %arg0[%get3A_402, %get3A_403] : memref<96x48xi32, #tpu.memory_space<vmem>>, vector<96x1xi32>
    %get3A_405 = arith.constant 0 : index
    %get3A_406 = arith.constant 29 : index
    %get3A_407 = vector.load %arg1[%get3A_405, %get3A_406] : memref<96x48xf32, #tpu.memory_space<vmem>>, vector<96x1xf32>
    %eq3A_408 = vector.broadcast %get3A_404 : vector<96x1xi32> to vector<96x864xi32>
    %eq3A_409 = arith.cmpi eq, %eq3A_408, %iota3A : vector<96x864xi32>
    %jit3A_410 = arith.constant 0.000000e+00 : f32
    %broadcast_in_dim3A_411 = vector.shape_cast %get3A_407 : vector<96x1xf32> to vector<96x1xf32>
    %broadcast_in_dim3A_412 = vector.broadcast %broadcast_in_dim3A_411 : vector<96x1xf32> to vector<96x864xf32>
    %broadcast_in_dim3A_413 = vector.broadcast %jit3A_410 : f32 to vector<96x864xf32>
    %select_n3A_414 = arith.select %eq3A_409, %broadcast_in_dim3A_412, %broadcast_in_dim3A_413 : vector<96x864xi1>, vector<96x864xf32>
    %add3A_415 = arith.addf %add3A_401, %select_n3A_414 : vector<96x864xf32>
    %get3A_416 = arith.constant 0 : index
    %get3A_417 = arith.constant 30 : index
    %get3A_418 = vector.load %arg0[%get3A_416, %get3A_417] : memref<96x48xi32, #tpu.memory_space<vmem>>, vector<96x1xi32>
    %get3A_419 = arith.constant 0 : index
    %get3A_420 = arith.constant 30 : index
    %get3A_421 = vector.load %arg1[%get3A_419, %get3A_420] : memref<96x48xf32, #tpu.memory_space<vmem>>, vector<96x1xf32>
    %eq3A_422 = vector.broadcast %get3A_418 : vector<96x1xi32> to vector<96x864xi32>
    %eq3A_423 = arith.cmpi eq, %eq3A_422, %iota3A : vector<96x864xi32>
    %jit3A_424 = arith.constant 0.000000e+00 : f32
    %broadcast_in_dim3A_425 = vector.shape_cast %get3A_421 : vector<96x1xf32> to vector<96x1xf32>
    %broadcast_in_dim3A_426 = vector.broadcast %broadcast_in_dim3A_425 : vector<96x1xf32> to vector<96x864xf32>
    %broadcast_in_dim3A_427 = vector.broadcast %jit3A_424 : f32 to vector<96x864xf32>
    %select_n3A_428 = arith.select %eq3A_423, %broadcast_in_dim3A_426, %broadcast_in_dim3A_427 : vector<96x864xi1>, vector<96x864xf32>
    %add3A_429 = arith.addf %add3A_415, %select_n3A_428 : vector<96x864xf32>
    %get3A_430 = arith.constant 0 : index
    %get3A_431 = arith.constant 31 : index
    %get3A_432 = vector.load %arg0[%get3A_430, %get3A_431] : memref<96x48xi32, #tpu.memory_space<vmem>>, vector<96x1xi32>
    %get3A_433 = arith.constant 0 : index
    %get3A_434 = arith.constant 31 : index
    %get3A_435 = vector.load %arg1[%get3A_433, %get3A_434] : memref<96x48xf32, #tpu.memory_space<vmem>>, vector<96x1xf32>
    %eq3A_436 = vector.broadcast %get3A_432 : vector<96x1xi32> to vector<96x864xi32>
    %eq3A_437 = arith.cmpi eq, %eq3A_436, %iota3A : vector<96x864xi32>
    %jit3A_438 = arith.constant 0.000000e+00 : f32
    %broadcast_in_dim3A_439 = vector.shape_cast %get3A_435 : vector<96x1xf32> to vector<96x1xf32>
    %broadcast_in_dim3A_440 = vector.broadcast %broadcast_in_dim3A_439 : vector<96x1xf32> to vector<96x864xf32>
    %broadcast_in_dim3A_441 = vector.broadcast %jit3A_438 : f32 to vector<96x864xf32>
    %select_n3A_442 = arith.select %eq3A_437, %broadcast_in_dim3A_440, %broadcast_in_dim3A_441 : vector<96x864xi1>, vector<96x864xf32>
    %add3A_443 = arith.addf %add3A_429, %select_n3A_442 : vector<96x864xf32>
    %get3A_444 = arith.constant 0 : index
    %get3A_445 = arith.constant 32 : index
    %get3A_446 = vector.load %arg0[%get3A_444, %get3A_445] : memref<96x48xi32, #tpu.memory_space<vmem>>, vector<96x1xi32>
    %get3A_447 = arith.constant 0 : index
    %get3A_448 = arith.constant 32 : index
    %get3A_449 = vector.load %arg1[%get3A_447, %get3A_448] : memref<96x48xf32, #tpu.memory_space<vmem>>, vector<96x1xf32>
    %eq3A_450 = vector.broadcast %get3A_446 : vector<96x1xi32> to vector<96x864xi32>
    %eq3A_451 = arith.cmpi eq, %eq3A_450, %iota3A : vector<96x864xi32>
    %jit3A_452 = arith.constant 0.000000e+00 : f32
    %broadcast_in_dim3A_453 = vector.shape_cast %get3A_449 : vector<96x1xf32> to vector<96x1xf32>
    %broadcast_in_dim3A_454 = vector.broadcast %broadcast_in_dim3A_453 : vector<96x1xf32> to vector<96x864xf32>
    %broadcast_in_dim3A_455 = vector.broadcast %jit3A_452 : f32 to vector<96x864xf32>
    %select_n3A_456 = arith.select %eq3A_451, %broadcast_in_dim3A_454, %broadcast_in_dim3A_455 : vector<96x864xi1>, vector<96x864xf32>
    %add3A_457 = arith.addf %add3A_443, %select_n3A_456 : vector<96x864xf32>
    %get3A_458 = arith.constant 0 : index
    %get3A_459 = arith.constant 33 : index
    %get3A_460 = vector.load %arg0[%get3A_458, %get3A_459] : memref<96x48xi32, #tpu.memory_space<vmem>>, vector<96x1xi32>
    %get3A_461 = arith.constant 0 : index
    %get3A_462 = arith.constant 33 : index
    %get3A_463 = vector.load %arg1[%get3A_461, %get3A_462] : memref<96x48xf32, #tpu.memory_space<vmem>>, vector<96x1xf32>
    %eq3A_464 = vector.broadcast %get3A_460 : vector<96x1xi32> to vector<96x864xi32>
    %eq3A_465 = arith.cmpi eq, %eq3A_464, %iota3A : vector<96x864xi32>
    %jit3A_466 = arith.constant 0.000000e+00 : f32
    %broadcast_in_dim3A_467 = vector.shape_cast %get3A_463 : vector<96x1xf32> to vector<96x1xf32>
    %broadcast_in_dim3A_468 = vector.broadcast %broadcast_in_dim3A_467 : vector<96x1xf32> to vector<96x864xf32>
    %broadcast_in_dim3A_469 = vector.broadcast %jit3A_466 : f32 to vector<96x864xf32>
    %select_n3A_470 = arith.select %eq3A_465, %broadcast_in_dim3A_468, %broadcast_in_dim3A_469 : vector<96x864xi1>, vector<96x864xf32>
    %add3A_471 = arith.addf %add3A_457, %select_n3A_470 : vector<96x864xf32>
    %get3A_472 = arith.constant 0 : index
    %get3A_473 = arith.constant 34 : index
    %get3A_474 = vector.load %arg0[%get3A_472, %get3A_473] : memref<96x48xi32, #tpu.memory_space<vmem>>, vector<96x1xi32>
    %get3A_475 = arith.constant 0 : index
    %get3A_476 = arith.constant 34 : index
    %get3A_477 = vector.load %arg1[%get3A_475, %get3A_476] : memref<96x48xf32, #tpu.memory_space<vmem>>, vector<96x1xf32>
    %eq3A_478 = vector.broadcast %get3A_474 : vector<96x1xi32> to vector<96x864xi32>
    %eq3A_479 = arith.cmpi eq, %eq3A_478, %iota3A : vector<96x864xi32>
    %jit3A_480 = arith.constant 0.000000e+00 : f32
    %broadcast_in_dim3A_481 = vector.shape_cast %get3A_477 : vector<96x1xf32> to vector<96x1xf32>
    %broadcast_in_dim3A_482 = vector.broadcast %broadcast_in_dim3A_481 : vector<96x1xf32> to vector<96x864xf32>
    %broadcast_in_dim3A_483 = vector.broadcast %jit3A_480 : f32 to vector<96x864xf32>
    %select_n3A_484 = arith.select %eq3A_479, %broadcast_in_dim3A_482, %broadcast_in_dim3A_483 : vector<96x864xi1>, vector<96x864xf32>
    %add3A_485 = arith.addf %add3A_471, %select_n3A_484 : vector<96x864xf32>
    %get3A_486 = arith.constant 0 : index
    %get3A_487 = arith.constant 35 : index
    %get3A_488 = vector.load %arg0[%get3A_486, %get3A_487] : memref<96x48xi32, #tpu.memory_space<vmem>>, vector<96x1xi32>
    %get3A_489 = arith.constant 0 : index
    %get3A_490 = arith.constant 35 : index
    %get3A_491 = vector.load %arg1[%get3A_489, %get3A_490] : memref<96x48xf32, #tpu.memory_space<vmem>>, vector<96x1xf32>
    %eq3A_492 = vector.broadcast %get3A_488 : vector<96x1xi32> to vector<96x864xi32>
    %eq3A_493 = arith.cmpi eq, %eq3A_492, %iota3A : vector<96x864xi32>
    %jit3A_494 = arith.constant 0.000000e+00 : f32
    %broadcast_in_dim3A_495 = vector.shape_cast %get3A_491 : vector<96x1xf32> to vector<96x1xf32>
    %broadcast_in_dim3A_496 = vector.broadcast %broadcast_in_dim3A_495 : vector<96x1xf32> to vector<96x864xf32>
    %broadcast_in_dim3A_497 = vector.broadcast %jit3A_494 : f32 to vector<96x864xf32>
    %select_n3A_498 = arith.select %eq3A_493, %broadcast_in_dim3A_496, %broadcast_in_dim3A_497 : vector<96x864xi1>, vector<96x864xf32>
    %add3A_499 = arith.addf %add3A_485, %select_n3A_498 : vector<96x864xf32>
    %get3A_500 = arith.constant 0 : index
    %get3A_501 = arith.constant 36 : index
    %get3A_502 = vector.load %arg0[%get3A_500, %get3A_501] : memref<96x48xi32, #tpu.memory_space<vmem>>, vector<96x1xi32>
    %get3A_503 = arith.constant 0 : index
    %get3A_504 = arith.constant 36 : index
    %get3A_505 = vector.load %arg1[%get3A_503, %get3A_504] : memref<96x48xf32, #tpu.memory_space<vmem>>, vector<96x1xf32>
    %eq3A_506 = vector.broadcast %get3A_502 : vector<96x1xi32> to vector<96x864xi32>
    %eq3A_507 = arith.cmpi eq, %eq3A_506, %iota3A : vector<96x864xi32>
    %jit3A_508 = arith.constant 0.000000e+00 : f32
    %broadcast_in_dim3A_509 = vector.shape_cast %get3A_505 : vector<96x1xf32> to vector<96x1xf32>
    %broadcast_in_dim3A_510 = vector.broadcast %broadcast_in_dim3A_509 : vector<96x1xf32> to vector<96x864xf32>
    %broadcast_in_dim3A_511 = vector.broadcast %jit3A_508 : f32 to vector<96x864xf32>
    %select_n3A_512 = arith.select %eq3A_507, %broadcast_in_dim3A_510, %broadcast_in_dim3A_511 : vector<96x864xi1>, vector<96x864xf32>
    %add3A_513 = arith.addf %add3A_499, %select_n3A_512 : vector<96x864xf32>
    %get3A_514 = arith.constant 0 : index
    %get3A_515 = arith.constant 37 : index
    %get3A_516 = vector.load %arg0[%get3A_514, %get3A_515] : memref<96x48xi32, #tpu.memory_space<vmem>>, vector<96x1xi32>
    %get3A_517 = arith.constant 0 : index
    %get3A_518 = arith.constant 37 : index
    %get3A_519 = vector.load %arg1[%get3A_517, %get3A_518] : memref<96x48xf32, #tpu.memory_space<vmem>>, vector<96x1xf32>
    %eq3A_520 = vector.broadcast %get3A_516 : vector<96x1xi32> to vector<96x864xi32>
    %eq3A_521 = arith.cmpi eq, %eq3A_520, %iota3A : vector<96x864xi32>
    %jit3A_522 = arith.constant 0.000000e+00 : f32
    %broadcast_in_dim3A_523 = vector.shape_cast %get3A_519 : vector<96x1xf32> to vector<96x1xf32>
    %broadcast_in_dim3A_524 = vector.broadcast %broadcast_in_dim3A_523 : vector<96x1xf32> to vector<96x864xf32>
    %broadcast_in_dim3A_525 = vector.broadcast %jit3A_522 : f32 to vector<96x864xf32>
    %select_n3A_526 = arith.select %eq3A_521, %broadcast_in_dim3A_524, %broadcast_in_dim3A_525 : vector<96x864xi1>, vector<96x864xf32>
    %add3A_527 = arith.addf %add3A_513, %select_n3A_526 : vector<96x864xf32>
    %get3A_528 = arith.constant 0 : index
    %get3A_529 = arith.constant 38 : index
    %get3A_530 = vector.load %arg0[%get3A_528, %get3A_529] : memref<96x48xi32, #tpu.memory_space<vmem>>, vector<96x1xi32>
    %get3A_531 = arith.constant 0 : index
    %get3A_532 = arith.constant 38 : index
    %get3A_533 = vector.load %arg1[%get3A_531, %get3A_532] : memref<96x48xf32, #tpu.memory_space<vmem>>, vector<96x1xf32>
    %eq3A_534 = vector.broadcast %get3A_530 : vector<96x1xi32> to vector<96x864xi32>
    %eq3A_535 = arith.cmpi eq, %eq3A_534, %iota3A : vector<96x864xi32>
    %jit3A_536 = arith.constant 0.000000e+00 : f32
    %broadcast_in_dim3A_537 = vector.shape_cast %get3A_533 : vector<96x1xf32> to vector<96x1xf32>
    %broadcast_in_dim3A_538 = vector.broadcast %broadcast_in_dim3A_537 : vector<96x1xf32> to vector<96x864xf32>
    %broadcast_in_dim3A_539 = vector.broadcast %jit3A_536 : f32 to vector<96x864xf32>
    %select_n3A_540 = arith.select %eq3A_535, %broadcast_in_dim3A_538, %broadcast_in_dim3A_539 : vector<96x864xi1>, vector<96x864xf32>
    %add3A_541 = arith.addf %add3A_527, %select_n3A_540 : vector<96x864xf32>
    %get3A_542 = arith.constant 0 : index
    %get3A_543 = arith.constant 39 : index
    %get3A_544 = vector.load %arg0[%get3A_542, %get3A_543] : memref<96x48xi32, #tpu.memory_space<vmem>>, vector<96x1xi32>
    %get3A_545 = arith.constant 0 : index
    %get3A_546 = arith.constant 39 : index
    %get3A_547 = vector.load %arg1[%get3A_545, %get3A_546] : memref<96x48xf32, #tpu.memory_space<vmem>>, vector<96x1xf32>
    %eq3A_548 = vector.broadcast %get3A_544 : vector<96x1xi32> to vector<96x864xi32>
    %eq3A_549 = arith.cmpi eq, %eq3A_548, %iota3A : vector<96x864xi32>
    %jit3A_550 = arith.constant 0.000000e+00 : f32
    %broadcast_in_dim3A_551 = vector.shape_cast %get3A_547 : vector<96x1xf32> to vector<96x1xf32>
    %broadcast_in_dim3A_552 = vector.broadcast %broadcast_in_dim3A_551 : vector<96x1xf32> to vector<96x864xf32>
    %broadcast_in_dim3A_553 = vector.broadcast %jit3A_550 : f32 to vector<96x864xf32>
    %select_n3A_554 = arith.select %eq3A_549, %broadcast_in_dim3A_552, %broadcast_in_dim3A_553 : vector<96x864xi1>, vector<96x864xf32>
    %add3A_555 = arith.addf %add3A_541, %select_n3A_554 : vector<96x864xf32>
    %get3A_556 = arith.constant 0 : index
    %get3A_557 = arith.constant 40 : index
    %get3A_558 = vector.load %arg0[%get3A_556, %get3A_557] : memref<96x48xi32, #tpu.memory_space<vmem>>, vector<96x1xi32>
    %get3A_559 = arith.constant 0 : index
    %get3A_560 = arith.constant 40 : index
    %get3A_561 = vector.load %arg1[%get3A_559, %get3A_560] : memref<96x48xf32, #tpu.memory_space<vmem>>, vector<96x1xf32>
    %eq3A_562 = vector.broadcast %get3A_558 : vector<96x1xi32> to vector<96x864xi32>
    %eq3A_563 = arith.cmpi eq, %eq3A_562, %iota3A : vector<96x864xi32>
    %jit3A_564 = arith.constant 0.000000e+00 : f32
    %broadcast_in_dim3A_565 = vector.shape_cast %get3A_561 : vector<96x1xf32> to vector<96x1xf32>
    %broadcast_in_dim3A_566 = vector.broadcast %broadcast_in_dim3A_565 : vector<96x1xf32> to vector<96x864xf32>
    %broadcast_in_dim3A_567 = vector.broadcast %jit3A_564 : f32 to vector<96x864xf32>
    %select_n3A_568 = arith.select %eq3A_563, %broadcast_in_dim3A_566, %broadcast_in_dim3A_567 : vector<96x864xi1>, vector<96x864xf32>
    %add3A_569 = arith.addf %add3A_555, %select_n3A_568 : vector<96x864xf32>
    %get3A_570 = arith.constant 0 : index
    %get3A_571 = arith.constant 41 : index
    %get3A_572 = vector.load %arg0[%get3A_570, %get3A_571] : memref<96x48xi32, #tpu.memory_space<vmem>>, vector<96x1xi32>
    %get3A_573 = arith.constant 0 : index
    %get3A_574 = arith.constant 41 : index
    %get3A_575 = vector.load %arg1[%get3A_573, %get3A_574] : memref<96x48xf32, #tpu.memory_space<vmem>>, vector<96x1xf32>
    %eq3A_576 = vector.broadcast %get3A_572 : vector<96x1xi32> to vector<96x864xi32>
    %eq3A_577 = arith.cmpi eq, %eq3A_576, %iota3A : vector<96x864xi32>
    %jit3A_578 = arith.constant 0.000000e+00 : f32
    %broadcast_in_dim3A_579 = vector.shape_cast %get3A_575 : vector<96x1xf32> to vector<96x1xf32>
    %broadcast_in_dim3A_580 = vector.broadcast %broadcast_in_dim3A_579 : vector<96x1xf32> to vector<96x864xf32>
    %broadcast_in_dim3A_581 = vector.broadcast %jit3A_578 : f32 to vector<96x864xf32>
    %select_n3A_582 = arith.select %eq3A_577, %broadcast_in_dim3A_580, %broadcast_in_dim3A_581 : vector<96x864xi1>, vector<96x864xf32>
    %add3A_583 = arith.addf %add3A_569, %select_n3A_582 : vector<96x864xf32>
    %get3A_584 = arith.constant 0 : index
    %get3A_585 = arith.constant 42 : index
    %get3A_586 = vector.load %arg0[%get3A_584, %get3A_585] : memref<96x48xi32, #tpu.memory_space<vmem>>, vector<96x1xi32>
    %get3A_587 = arith.constant 0 : index
    %get3A_588 = arith.constant 42 : index
    %get3A_589 = vector.load %arg1[%get3A_587, %get3A_588] : memref<96x48xf32, #tpu.memory_space<vmem>>, vector<96x1xf32>
    %eq3A_590 = vector.broadcast %get3A_586 : vector<96x1xi32> to vector<96x864xi32>
    %eq3A_591 = arith.cmpi eq, %eq3A_590, %iota3A : vector<96x864xi32>
    %jit3A_592 = arith.constant 0.000000e+00 : f32
    %broadcast_in_dim3A_593 = vector.shape_cast %get3A_589 : vector<96x1xf32> to vector<96x1xf32>
    %broadcast_in_dim3A_594 = vector.broadcast %broadcast_in_dim3A_593 : vector<96x1xf32> to vector<96x864xf32>
    %broadcast_in_dim3A_595 = vector.broadcast %jit3A_592 : f32 to vector<96x864xf32>
    %select_n3A_596 = arith.select %eq3A_591, %broadcast_in_dim3A_594, %broadcast_in_dim3A_595 : vector<96x864xi1>, vector<96x864xf32>
    %add3A_597 = arith.addf %add3A_583, %select_n3A_596 : vector<96x864xf32>
    %get3A_598 = arith.constant 0 : index
    %get3A_599 = arith.constant 43 : index
    %get3A_600 = vector.load %arg0[%get3A_598, %get3A_599] : memref<96x48xi32, #tpu.memory_space<vmem>>, vector<96x1xi32>
    %get3A_601 = arith.constant 0 : index
    %get3A_602 = arith.constant 43 : index
    %get3A_603 = vector.load %arg1[%get3A_601, %get3A_602] : memref<96x48xf32, #tpu.memory_space<vmem>>, vector<96x1xf32>
    %eq3A_604 = vector.broadcast %get3A_600 : vector<96x1xi32> to vector<96x864xi32>
    %eq3A_605 = arith.cmpi eq, %eq3A_604, %iota3A : vector<96x864xi32>
    %jit3A_606 = arith.constant 0.000000e+00 : f32
    %broadcast_in_dim3A_607 = vector.shape_cast %get3A_603 : vector<96x1xf32> to vector<96x1xf32>
    %broadcast_in_dim3A_608 = vector.broadcast %broadcast_in_dim3A_607 : vector<96x1xf32> to vector<96x864xf32>
    %broadcast_in_dim3A_609 = vector.broadcast %jit3A_606 : f32 to vector<96x864xf32>
    %select_n3A_610 = arith.select %eq3A_605, %broadcast_in_dim3A_608, %broadcast_in_dim3A_609 : vector<96x864xi1>, vector<96x864xf32>
    %add3A_611 = arith.addf %add3A_597, %select_n3A_610 : vector<96x864xf32>
    %get3A_612 = arith.constant 0 : index
    %get3A_613 = arith.constant 44 : index
    %get3A_614 = vector.load %arg0[%get3A_612, %get3A_613] : memref<96x48xi32, #tpu.memory_space<vmem>>, vector<96x1xi32>
    %get3A_615 = arith.constant 0 : index
    %get3A_616 = arith.constant 44 : index
    %get3A_617 = vector.load %arg1[%get3A_615, %get3A_616] : memref<96x48xf32, #tpu.memory_space<vmem>>, vector<96x1xf32>
    %eq3A_618 = vector.broadcast %get3A_614 : vector<96x1xi32> to vector<96x864xi32>
    %eq3A_619 = arith.cmpi eq, %eq3A_618, %iota3A : vector<96x864xi32>
    %jit3A_620 = arith.constant 0.000000e+00 : f32
    %broadcast_in_dim3A_621 = vector.shape_cast %get3A_617 : vector<96x1xf32> to vector<96x1xf32>
    %broadcast_in_dim3A_622 = vector.broadcast %broadcast_in_dim3A_621 : vector<96x1xf32> to vector<96x864xf32>
    %broadcast_in_dim3A_623 = vector.broadcast %jit3A_620 : f32 to vector<96x864xf32>
    %select_n3A_624 = arith.select %eq3A_619, %broadcast_in_dim3A_622, %broadcast_in_dim3A_623 : vector<96x864xi1>, vector<96x864xf32>
    %add3A_625 = arith.addf %add3A_611, %select_n3A_624 : vector<96x864xf32>
    %get3A_626 = arith.constant 0 : index
    %get3A_627 = arith.constant 45 : index
    %get3A_628 = vector.load %arg0[%get3A_626, %get3A_627] : memref<96x48xi32, #tpu.memory_space<vmem>>, vector<96x1xi32>
    %get3A_629 = arith.constant 0 : index
    %get3A_630 = arith.constant 45 : index
    %get3A_631 = vector.load %arg1[%get3A_629, %get3A_630] : memref<96x48xf32, #tpu.memory_space<vmem>>, vector<96x1xf32>
    %eq3A_632 = vector.broadcast %get3A_628 : vector<96x1xi32> to vector<96x864xi32>
    %eq3A_633 = arith.cmpi eq, %eq3A_632, %iota3A : vector<96x864xi32>
    %jit3A_634 = arith.constant 0.000000e+00 : f32
    %broadcast_in_dim3A_635 = vector.shape_cast %get3A_631 : vector<96x1xf32> to vector<96x1xf32>
    %broadcast_in_dim3A_636 = vector.broadcast %broadcast_in_dim3A_635 : vector<96x1xf32> to vector<96x864xf32>
    %broadcast_in_dim3A_637 = vector.broadcast %jit3A_634 : f32 to vector<96x864xf32>
    %select_n3A_638 = arith.select %eq3A_633, %broadcast_in_dim3A_636, %broadcast_in_dim3A_637 : vector<96x864xi1>, vector<96x864xf32>
    %add3A_639 = arith.addf %add3A_625, %select_n3A_638 : vector<96x864xf32>
    %get3A_640 = arith.constant 0 : index
    %get3A_641 = arith.constant 46 : index
    %get3A_642 = vector.load %arg0[%get3A_640, %get3A_641] : memref<96x48xi32, #tpu.memory_space<vmem>>, vector<96x1xi32>
    %get3A_643 = arith.constant 0 : index
    %get3A_644 = arith.constant 46 : index
    %get3A_645 = vector.load %arg1[%get3A_643, %get3A_644] : memref<96x48xf32, #tpu.memory_space<vmem>>, vector<96x1xf32>
    %eq3A_646 = vector.broadcast %get3A_642 : vector<96x1xi32> to vector<96x864xi32>
    %eq3A_647 = arith.cmpi eq, %eq3A_646, %iota3A : vector<96x864xi32>
    %jit3A_648 = arith.constant 0.000000e+00 : f32
    %broadcast_in_dim3A_649 = vector.shape_cast %get3A_645 : vector<96x1xf32> to vector<96x1xf32>
    %broadcast_in_dim3A_650 = vector.broadcast %broadcast_in_dim3A_649 : vector<96x1xf32> to vector<96x864xf32>
    %broadcast_in_dim3A_651 = vector.broadcast %jit3A_648 : f32 to vector<96x864xf32>
    %select_n3A_652 = arith.select %eq3A_647, %broadcast_in_dim3A_650, %broadcast_in_dim3A_651 : vector<96x864xi1>, vector<96x864xf32>
    %add3A_653 = arith.addf %add3A_639, %select_n3A_652 : vector<96x864xf32>
    %get3A_654 = arith.constant 0 : index
    %get3A_655 = arith.constant 47 : index
    %get3A_656 = vector.load %arg0[%get3A_654, %get3A_655] : memref<96x48xi32, #tpu.memory_space<vmem>>, vector<96x1xi32>
    %get3A_657 = arith.constant 0 : index
    %get3A_658 = arith.constant 47 : index
    %get3A_659 = vector.load %arg1[%get3A_657, %get3A_658] : memref<96x48xf32, #tpu.memory_space<vmem>>, vector<96x1xf32>
    %eq3A_660 = vector.broadcast %get3A_656 : vector<96x1xi32> to vector<96x864xi32>
    %eq3A_661 = arith.cmpi eq, %eq3A_660, %iota3A : vector<96x864xi32>
    %jit3A_662 = arith.constant 0.000000e+00 : f32
    %broadcast_in_dim3A_663 = vector.shape_cast %get3A_659 : vector<96x1xf32> to vector<96x1xf32>
    %broadcast_in_dim3A_664 = vector.broadcast %broadcast_in_dim3A_663 : vector<96x1xf32> to vector<96x864xf32>
    %broadcast_in_dim3A_665 = vector.broadcast %jit3A_662 : f32 to vector<96x864xf32>
    %select_n3A_666 = arith.select %eq3A_661, %broadcast_in_dim3A_664, %broadcast_in_dim3A_665 : vector<96x864xi1>, vector<96x864xf32>
    %add3A_667 = arith.addf %add3A_653, %select_n3A_666 : vector<96x864xf32>
    %swap3A = arith.constant 0 : index
    %swap3A_668 = arith.constant 0 : index
    %swap3A_669 = vector.load %arg4[%swap3A, %swap3A_668] : memref<96x864xf32, #tpu.memory_space<vmem>>, vector<96x864xf32>
    tpu.vector_store %arg4[%swap3A, %swap3A_668], %add3A_667 {strides = array<i32>} : memref<96x864xf32, #tpu.memory_space<vmem>>, vector<96x864xf32>,
    %iota3A_670 = tpu.iota {dimensions = array<i32: 0>} : vector<96x96xi32>
    %get3A_671 = arith.constant 0 : index
    %get3A_672 = arith.constant 0 : index
    %get3A_673 = vector.load %arg2[%get3A_671, %get3A_672] : memref<1x96xi32, #tpu.memory_space<vmem>>, vector<1x96xi32>
    %eq3A_674 = vector.broadcast %get3A_673 : vector<1x96xi32> to vector<96x96xi32>
    %eq3A_675 = arith.cmpi eq, %eq3A_674, %iota3A_670 : vector<96x96xi32>
    %get3A_676 = arith.constant 0 : index
    %get3A_677 = arith.constant 0 : index
    %get3A_678 = vector.load %arg3[%get3A_676, %get3A_677] : memref<1x96xf32, #tpu.memory_space<vmem>>, vector<1x96xf32>
    %jit3A_679 = arith.constant 0.000000e+00 : f32
    %broadcast_in_dim3A_680 = vector.shape_cast %get3A_678 : vector<1x96xf32> to vector<1x96xf32>
    %broadcast_in_dim3A_681 = vector.broadcast %broadcast_in_dim3A_680 : vector<1x96xf32> to vector<96x96xf32>
    %broadcast_in_dim3A_682 = vector.broadcast %jit3A_679 : f32 to vector<96x96xf32>
    %select_n3A_683 = arith.select %eq3A_675, %broadcast_in_dim3A_681, %broadcast_in_dim3A_682 : vector<96x96xi1>, vector<96x96xf32>
    %reduce_sum3A = arith.constant dense<0.000000e+00> : vector<96xf32>
    %reduce_sum3A_684 = vector.multi_reduction <add>, %select_n3A_683, %reduce_sum3A [1] : vector<96x96xf32> to vector<96xf32>
    %broadcast_in_dim3A_685 = vector.shape_cast %reduce_sum3A_684 : vector<96xf32> to vector<96x1xf32>
    %swap3A_686 = arith.constant 0 : index
    %swap3A_687 = arith.constant 0 : index
    %swap3A_688 = vector.load %arg5[%swap3A_686, %swap3A_687] : memref<96x1xf32, #tpu.memory_space<vmem>>, vector<96x1xf32>
    tpu.vector_store %arg5[%swap3A_686, %swap3A_687], %broadcast_in_dim3A_685 {strides = array<i32>} : memref<96x1xf32, #tpu.memory_space<vmem>>, vector<96x1xf32>,
    return
  }
}

module attributes {stable_mosaic.version = 14 : i64} {
  func.func @_conv_body(%arg0: i32, %arg1: i32, %arg2: memref<1x96x7168xf32, #tpu.memory_space<vmem>>, %arg3: memref<1x96x512xf32, #tpu.memory_space<vmem>>, %arg4: memref<96x864xf32, #tpu.memory_space<vmem>>, %arg5: memref<96x1xf32, #tpu.memory_space<vmem>>, %arg6: memref<1x96x7168xf32, #tpu.memory_space<vmem>>, %arg7: memref<96x7680xbf16, #tpu.memory_space<vmem>>) attributes {dimension_semantics = [#tpu.dimension_semantics<arbitrary>, #tpu.dimension_semantics<arbitrary>], iteration_bounds = array<i64: 4, 7>, scalar_prefetch = 0 : i64, scratch_operands = 1 : i64, tpu.core_type = #tpu.core_type<tc>, window_params = [{transform_indices = @transform_0, window_bounds = array<i64: 1, 96, 7168>}, {transform_indices = @transform_1, window_bounds = array<i64: 1, 96, 512>}, {pipeline_mode = #tpu.pipeline_mode<synchronous>, transform_indices = @transform_2, window_bounds = array<i64: 96, 864>}, {pipeline_mode = #tpu.pipeline_mode<synchronous>, transform_indices = @transform_3, window_bounds = array<i64: 96, 1>}, {transform_indices = @transform_4, window_bounds = array<i64: 1, 96, 7168>}]} {
    %get3A = arith.constant 0 : index
    %get3A_0 = arith.constant 0 : index
    %get3A_1 = vector.load %arg5[%get3A, %get3A_0] : memref<96x1xf32, #tpu.memory_space<vmem>>, vector<96x1xf32>
    %get3A_2 = arith.constant 0 : index
    %get3A_3 = arith.constant 0 : index
    %get3A_4 = arith.constant 0 : index
    %get3A_5 = vector.load %arg2[%get3A_2, %get3A_3, %get3A_4] : memref<1x96x7168xf32, #tpu.memory_space<vmem>>, vector<1x96x7168xf32>
    %get3A_6 = vector.shape_cast %get3A_5 : vector<1x96x7168xf32> to vector<96x7168xf32>
    %convert_element_type3A = arith.truncf %get3A_6 : vector<96x7168xf32> to vector<96x7168xbf16>
    %swap3A = arith.constant 0 : index
    %swap3A_7 = arith.constant 0 : index
    %swap3A_8 = vector.load %arg7[%swap3A, %swap3A_7] : memref<96x7680xbf16, #tpu.memory_space<vmem>>, vector<96x7168xbf16>
    tpu.vector_store %arg7[%swap3A, %swap3A_7], %convert_element_type3A {strides = array<i32>} : memref<96x7680xbf16, #tpu.memory_space<vmem>>, vector<96x7168xbf16>,
    %get3A_9 = arith.constant 0 : index
    %get3A_10 = arith.constant 0 : index
    %get3A_11 = arith.constant 0 : index
    %get3A_12 = vector.load %arg3[%get3A_9, %get3A_10, %get3A_11] : memref<1x96x512xf32, #tpu.memory_space<vmem>>, vector<1x96x512xf32>
    %get3A_13 = vector.shape_cast %get3A_12 : vector<1x96x512xf32> to vector<96x512xf32>
    %convert_element_type3A_14 = arith.truncf %get3A_13 : vector<96x512xf32> to vector<96x512xbf16>
    %swap3A_15 = arith.constant 0 : index
    %swap3A_16 = arith.constant 7168 : index
    %swap3A_17 = vector.load %arg7[%swap3A_15, %swap3A_16] : memref<96x7680xbf16, #tpu.memory_space<vmem>>, vector<96x512xbf16>
    tpu.vector_store %arg7[%swap3A_15, %swap3A_16], %convert_element_type3A_14 {strides = array<i32>} : memref<96x7680xbf16, #tpu.memory_space<vmem>>, vector<96x512xbf16>,
    %get3A_18 = arith.constant 0 : index
    %get3A_19 = arith.constant 0 : index
    %get3A_20 = vector.load %arg4[%get3A_18, %get3A_19] : memref<96x864xf32, #tpu.memory_space<vmem>>, vector<96x864xf32>
    %convert_element_type3A_21 = arith.truncf %get3A_20 : vector<96x864xf32> to vector<96x864xbf16>
    %broadcast_in_dim3A = arith.constant 0.000000e+00 : f32
    %broadcast_in_dim3A_22 = vector.broadcast %broadcast_in_dim3A : f32 to vector<96x7168xf32>
    %slice3A = vector.extract_strided_slice %convert_element_type3A_21 {offsets = [0, 0], sizes = [96, 96], strides = [1, 1]} : vector<96x864xbf16> to vector<96x96xbf16>
    %get3A_23 = arith.constant 0 : index
    %get3A_24 = arith.constant 0 : index
    %get3A_25 = vector.load %arg7[%get3A_23, %get3A_24] : memref<96x7680xbf16, #tpu.memory_space<vmem>>, vector<96x7168xbf16>
    %dot_general3A = arith.constant dense<0.000000e+00> : vector<96x7168xf32>
    %dot_general3A_26 = tpu.matmul %slice3A, %get3A_25, %dot_general3A {dimension_numbers = #tpu.dot_dimension_numbers<[1], [0], [0], [1], [0, 0, 1, 1], [], []>, transpose_lhs_hint = false} : vector<96x96xbf16>, vector<96x7168xbf16>, vector<96x7168xf32> -> vector<96x7168xf32>
    %add3A = arith.addf %broadcast_in_dim3A_22, %dot_general3A_26 : vector<96x7168xf32>
    %slice3A_27 = vector.extract_strided_slice %convert_element_type3A_21 {offsets = [0, 96], sizes = [96, 96], strides = [1, 1]} : vector<96x864xbf16> to vector<96x96xbf16>
    %get3A_28 = arith.constant 0 : index
    %get3A_29 = arith.constant 1 : index
    %get3A_30 = vector.load %arg7[%get3A_28, %get3A_29] : memref<96x7680xbf16, #tpu.memory_space<vmem>>, vector<96x7168xbf16>
    %dot_general3A_31 = arith.constant dense<0.000000e+00> : vector<96x7168xf32>
    %dot_general3A_32 = tpu.matmul %slice3A_27, %get3A_30, %dot_general3A_31 {dimension_numbers = #tpu.dot_dimension_numbers<[1], [0], [0], [1], [0, 0, 1, 1], [], []>, transpose_lhs_hint = false} : vector<96x96xbf16>, vector<96x7168xbf16>, vector<96x7168xf32> -> vector<96x7168xf32>
    %add3A_33 = arith.addf %add3A, %dot_general3A_32 : vector<96x7168xf32>
    %slice3A_34 = vector.extract_strided_slice %convert_element_type3A_21 {offsets = [0, 192], sizes = [96, 96], strides = [1, 1]} : vector<96x864xbf16> to vector<96x96xbf16>
    %get3A_35 = arith.constant 0 : index
    %get3A_36 = arith.constant 2 : index
    %get3A_37 = vector.load %arg7[%get3A_35, %get3A_36] : memref<96x7680xbf16, #tpu.memory_space<vmem>>, vector<96x7168xbf16>
    %dot_general3A_38 = arith.constant dense<0.000000e+00> : vector<96x7168xf32>
    %dot_general3A_39 = tpu.matmul %slice3A_34, %get3A_37, %dot_general3A_38 {dimension_numbers = #tpu.dot_dimension_numbers<[1], [0], [0], [1], [0, 0, 1, 1], [], []>, transpose_lhs_hint = false} : vector<96x96xbf16>, vector<96x7168xbf16>, vector<96x7168xf32> -> vector<96x7168xf32>
    %add3A_40 = arith.addf %add3A_33, %dot_general3A_39 : vector<96x7168xf32>
    %slice3A_41 = vector.extract_strided_slice %convert_element_type3A_21 {offsets = [0, 288], sizes = [96, 96], strides = [1, 1]} : vector<96x864xbf16> to vector<96x96xbf16>
    %get3A_42 = arith.constant 0 : index
    %get3A_43 = arith.constant 224 : index
    %get3A_44 = vector.load %arg7[%get3A_42, %get3A_43] : memref<96x7680xbf16, #tpu.memory_space<vmem>>, vector<96x7168xbf16>
    %dot_general3A_45 = arith.constant dense<0.000000e+00> : vector<96x7168xf32>
    %dot_general3A_46 = tpu.matmul %slice3A_41, %get3A_44, %dot_general3A_45 {dimension_numbers = #tpu.dot_dimension_numbers<[1], [0], [0], [1], [0, 0, 1, 1], [], []>, transpose_lhs_hint = false} : vector<96x96xbf16>, vector<96x7168xbf16>, vector<96x7168xf32> -> vector<96x7168xf32>
    %add3A_47 = arith.addf %add3A_40, %dot_general3A_46 : vector<96x7168xf32>
    %slice3A_48 = vector.extract_strided_slice %convert_element_type3A_21 {offsets = [0, 384], sizes = [96, 96], strides = [1, 1]} : vector<96x864xbf16> to vector<96x96xbf16>
    %get3A_49 = arith.constant 0 : index
    %get3A_50 = arith.constant 225 : index
    %get3A_51 = vector.load %arg7[%get3A_49, %get3A_50] : memref<96x7680xbf16, #tpu.memory_space<vmem>>, vector<96x7168xbf16>
    %dot_general3A_52 = arith.constant dense<0.000000e+00> : vector<96x7168xf32>
    %dot_general3A_53 = tpu.matmul %slice3A_48, %get3A_51, %dot_general3A_52 {dimension_numbers = #tpu.dot_dimension_numbers<[1], [0], [0], [1], [0, 0, 1, 1], [], []>, transpose_lhs_hint = false} : vector<96x96xbf16>, vector<96x7168xbf16>, vector<96x7168xf32> -> vector<96x7168xf32>
    %add3A_54 = arith.addf %add3A_47, %dot_general3A_53 : vector<96x7168xf32>
    %slice3A_55 = vector.extract_strided_slice %convert_element_type3A_21 {offsets = [0, 480], sizes = [96, 96], strides = [1, 1]} : vector<96x864xbf16> to vector<96x96xbf16>
    %get3A_56 = arith.constant 0 : index
    %get3A_57 = arith.constant 226 : index
    %get3A_58 = vector.load %arg7[%get3A_56, %get3A_57] : memref<96x7680xbf16, #tpu.memory_space<vmem>>, vector<96x7168xbf16>
    %dot_general3A_59 = arith.constant dense<0.000000e+00> : vector<96x7168xf32>
    %dot_general3A_60 = tpu.matmul %slice3A_55, %get3A_58, %dot_general3A_59 {dimension_numbers = #tpu.dot_dimension_numbers<[1], [0], [0], [1], [0, 0, 1, 1], [], []>, transpose_lhs_hint = false} : vector<96x96xbf16>, vector<96x7168xbf16>, vector<96x7168xf32> -> vector<96x7168xf32>
    %add3A_61 = arith.addf %add3A_54, %dot_general3A_60 : vector<96x7168xf32>
    %slice3A_62 = vector.extract_strided_slice %convert_element_type3A_21 {offsets = [0, 576], sizes = [96, 96], strides = [1, 1]} : vector<96x864xbf16> to vector<96x96xbf16>
    %get3A_63 = arith.constant 0 : index
    %get3A_64 = arith.constant 448 : index
    %get3A_65 = vector.load %arg7[%get3A_63, %get3A_64] : memref<96x7680xbf16, #tpu.memory_space<vmem>>, vector<96x7168xbf16>
    %dot_general3A_66 = arith.constant dense<0.000000e+00> : vector<96x7168xf32>
    %dot_general3A_67 = tpu.matmul %slice3A_62, %get3A_65, %dot_general3A_66 {dimension_numbers = #tpu.dot_dimension_numbers<[1], [0], [0], [1], [0, 0, 1, 1], [], []>, transpose_lhs_hint = false} : vector<96x96xbf16>, vector<96x7168xbf16>, vector<96x7168xf32> -> vector<96x7168xf32>
    %add3A_68 = arith.addf %add3A_61, %dot_general3A_67 : vector<96x7168xf32>
    %slice3A_69 = vector.extract_strided_slice %convert_element_type3A_21 {offsets = [0, 672], sizes = [96, 96], strides = [1, 1]} : vector<96x864xbf16> to vector<96x96xbf16>
    %get3A_70 = arith.constant 0 : index
    %get3A_71 = arith.constant 449 : index
    %get3A_72 = vector.load %arg7[%get3A_70, %get3A_71] : memref<96x7680xbf16, #tpu.memory_space<vmem>>, vector<96x7168xbf16>
    %dot_general3A_73 = arith.constant dense<0.000000e+00> : vector<96x7168xf32>
    %dot_general3A_74 = tpu.matmul %slice3A_69, %get3A_72, %dot_general3A_73 {dimension_numbers = #tpu.dot_dimension_numbers<[1], [0], [0], [1], [0, 0, 1, 1], [], []>, transpose_lhs_hint = false} : vector<96x96xbf16>, vector<96x7168xbf16>, vector<96x7168xf32> -> vector<96x7168xf32>
    %add3A_75 = arith.addf %add3A_68, %dot_general3A_74 : vector<96x7168xf32>
    %slice3A_76 = vector.extract_strided_slice %convert_element_type3A_21 {offsets = [0, 768], sizes = [96, 96], strides = [1, 1]} : vector<96x864xbf16> to vector<96x96xbf16>
    %get3A_77 = arith.constant 0 : index
    %get3A_78 = arith.constant 450 : index
    %get3A_79 = vector.load %arg7[%get3A_77, %get3A_78] : memref<96x7680xbf16, #tpu.memory_space<vmem>>, vector<96x7168xbf16>
    %dot_general3A_80 = arith.constant dense<0.000000e+00> : vector<96x7168xf32>
    %dot_general3A_81 = tpu.matmul %slice3A_76, %get3A_79, %dot_general3A_80 {dimension_numbers = #tpu.dot_dimension_numbers<[1], [0], [0], [1], [0, 0, 1, 1], [], []>, transpose_lhs_hint = false} : vector<96x96xbf16>, vector<96x7168xbf16>, vector<96x7168xf32> -> vector<96x7168xf32>
    %add3A_82 = arith.addf %add3A_75, %dot_general3A_81 : vector<96x7168xf32>
    %add3A_83 = vector.broadcast %get3A_1 : vector<96x1xf32> to vector<96x7168xf32>
    %add3A_84 = arith.addf %add3A_82, %add3A_83 : vector<96x7168xf32>
    %swap3A_85 = arith.constant 0 : index
    %swap3A_86 = arith.constant 0 : index
    %swap3A_87 = arith.constant 0 : index
    %swap3A_88 = vector.load %arg6[%swap3A_85, %swap3A_86, %swap3A_87] : memref<1x96x7168xf32, #tpu.memory_space<vmem>>, vector<1x96x7168xf32>
    %swap3A_89 = vector.shape_cast %swap3A_88 : vector<1x96x7168xf32> to vector<96x7168xf32>
    %swap3A_90 = vector.shape_cast %add3A_84 : vector<96x7168xf32> to vector<1x96x7168xf32>
    tpu.vector_store %arg6[%swap3A_85, %swap3A_86, %swap3A_87], %swap3A_90 {strides = array<i32>} : memref<1x96x7168xf32, #tpu.memory_space<vmem>>, vector<1x96x7168xf32>,
    return
  }
  func.func @transform_0(%arg0: i32, %arg1: i32) -> (i32, i32, i32) {
    %c0_i32 = arith.constant 0 : i32
    %c0_i32_0 = arith.constant 0 : i32
    return %arg0, %c0_i32, %arg1 : i32, i32, i32
  }
  func.func @transform_1(%arg0: i32, %arg1: i32) -> (i32, i32, i32) {
    %add3A = arith.constant 1 : i32
    %add3A_0 = arith.addi %arg1, %add3A : i32
    %mul3A = arith.constant 14 : i32
    %mul3A_1 = arith.muli %add3A_0, %mul3A : i32
    %min3A = arith.constant 97 : i32
    %min3A_2 = arith.minsi %mul3A_1, %min3A : i32
    %c0_i32 = arith.constant 0 : i32
    %c0_i32_3 = arith.constant 0 : i32
    return %arg0, %c0_i32, %min3A_2 : i32, i32, i32
  }
  func.func @transform_2(%arg0: i32, %arg1: i32) -> (i32, i32) {
    %c0_i32 = arith.constant 0 : i32
    %c0_i32_0 = arith.constant 0 : i32
    %c0_i32_1 = arith.constant 0 : i32
    return %c0_i32, %c0_i32_0 : i32, i32
  }
  func.func @transform_3(%arg0: i32, %arg1: i32) -> (i32, i32) {
    %c0_i32 = arith.constant 0 : i32
    %c0_i32_0 = arith.constant 0 : i32
    %c0_i32_1 = arith.constant 0 : i32
    return %c0_i32, %c0_i32_0 : i32, i32
  }
  func.func @transform_4(%arg0: i32, %arg1: i32) -> (i32, i32, i32) {
    %c0_i32 = arith.constant 0 : i32
    %c0_i32_0 = arith.constant 0 : i32
    return %arg0, %c0_i32, %arg1 : i32, i32, i32
  }
}

</mosaic_0001>

<sc_bundles>
// kernel: sparse-core-data-format-call.cloned.1.call-start
scs
called_computation_lowered:
.L_overlay_start_0:
0x0: {  	s2 =	sld [smem:$0x3FD9]  }
0x1: {  	s3 =	sld [smem:$0x3FFE];
	_ =	sdelay $0x1  }
0x2: {  	s1 =	srdreg.scid  }
0x3: {  	s0 =	sand.u32 $0x1, s1  }
0x4: {  	s18 =	sshll.u32 s0, $0xA;
	s2 =	sadd.s32 s3, s2  }
0x5: {  	s2 =	sadd.s32 s2, s18  }
0x6: {  	[smem:$0x3FC3] =	sst s2  }
0x7: {  	_ = 	snop  }
0x8: {  	s2 =	sld [smem:$0x3FD0];
	(tm) =	ssettm $0x1  }
0x9: {  	s19 =	sld [smem:$0x3FFB];
	_ =	sdelay $0x3  }
0xa: {  	_ =	strace s19  }
0xb: {  	s3 =	sld [smem:$0x3FFC];
	_ =	sdelay $0x3  }
0xc: {  	_ =	strace s3  }
0xd: {  	s3 =	sld [smem:$0x3FFD];
	_ =	sdelay $0x3  }
0xe: {  	_ =	strace s3  }
0xf: {  	_ =	strace $0x8FFFFFFF  }
0x10: {  	s20 =	sld [smem:$0x3FDB];
	_ =	sdelay $0x1  }
0x11: {  	s4 =	simm.s32 $_scs_section_size  }
0x12: {  	s5 =	simm.s32 $_size__tile_overlayer_lowered;
	s6 =	simm.s32 $_tile_overlayer_lowered  }
0x13: {  	s23 =	simm.s32 $0x1BFF;
	s22 =	sshll.u32 s6, $0x1;
	s3 =	sadd.s32 s4, s20  }
0x14: {  	s7 =	simm.s32 $0x0;
	s21 =	sshll.u32 s5, $0x1;
	s5 =	sadd.s32 s22, s3  }
0x15: {  	[timem:s7], [sflag:s23] =	dma.local [hbm:s5], s21  }
0x16: {  	_ =	swait.ge [sflag:s23], s21  }
0x17: {  	s4 =	ssub.s32 $0x0, s21;
	[sflag:s23] =	ssyncset.done $0x0  }
0x18: {  	[sflag:s23] =	ssyncadd.s32 s4;
	_ =	sdelay $0x1  }
0x19: {  	s24 =	simm.s32 $0x1B8B  }
0x1a: {  	_ =	swait.ge [sflag:s24], $0x1  }
0x1b: {  	[sflag:s24] =	ssyncset.done $0x0  }
0x1c: {  	s26 =	simm.s32 $0x1B8E;
	s25 =	sld [smem:$0x3FFE];
	[sflag:s24] =	ssyncadd.s32 $0xFFFFFFFF  }
0x1d: {  	s27 =	simm.s32 $execute0_lowered;
	[smem:$0x3FD2] =	sst s26  }
0x1e: {  	s5 =	sshll.u32 s27, $0x1;
	_ =	strace $0x80000046;
	[dreg:$0x1] =	wrdreg $0xFFFFFFFF  }
0x1f: {  	s28 =	simm.s32 $_size_execute0_lowered;
	s3 =	sadd.s32 s3, s5;
	[dreg:$0x0] =	wrdreg $0x0  }
0x20: {  	s5 =	sshll.u32 s28, $0x1;
	[dreg:$0x2] =	wrdreg s3  }
0x21: {  	[dreg:$0x3] =	wrdreg s5  }
0x22: {  	[dreg:$0x4] =	wrdreg $0xC0  }
0x23: {  	_ =	task [dreg:s7], $0x5FFFF  }
0x24: {  	[dreg:$0x1] =	wrdreg $0xFFFFFFFF  }
0x25: {  	[dreg:$0x0] =	wrdreg $0x60  }
0x26: {  	[dreg:$0x2] =	wrdreg s25  }
0x27: {  	[dreg:$0x3] =	wrdreg s2  }
0x28: {  	[dreg:$0x4] =	wrdreg $0x9  }
0x29: {  	_ =	task.clear_ibuf [dreg:s7], $0x5FFFF;
	_ =	strace $0x90000046  }
0x2a: {  	s29 =	simm.s32 $0x9;
	_ =	strace $0x80000048  }
0x2b: {  	_ =	swait.ge [sflag:s29], $0x1  }
0x2c: {  	[sflag:s29] =	ssyncadd.s32 $0xFFFFFFFF  }
0x2d: {  	_ =	strace $0x90000048  }
0x2e: {  	_ =	sfence  }
0x2f: {  	s30 =	sld [smem:$0x0];
	_ =	sdelay $0x2  }
0x30: {  	s31 =	sshll.u32 s1, $0xD;
	s1 =	sshrl.u32 s1, $0x2  }
0x31: {  	s3 =	sand.u32 $0x4000, s31;
	s1 =	sadd.s32 s1, s30  }
0x32: {  	s0 =	sor.u32 s3, s0;
	s1 =	sshll.u32 s1, $0x11  }
0x33: {  	s0 =	sor.u32 s1, s0  }
0x34: {  	s0 =	sadd.s32 $0x8F2B, s0  }
0x35: {  	[sflag:s0] =	ssyncadd.remote.s32 $0x1  }
0x36: {  	_ =	sfence.sel $0xFFFF  }
0x37: {  	[dreg:$0x0] =	wrdreg $0xFFFFFFFF;
	(pc) =	sbr.abs _section_cstart, $3  }
0x38: {  	[dreg:$0x1] =	wrdreg $0xFFFFFFFF  }
0x39: {  	_ =	task.clear_ibuf [dreg:s7], $0x2FFFF;
	_ =	strace $0x9FFFFFFF  }
0x3a: {  	(tm) =	ssettm $0x7FFFFFFF  }
0x3b: {  	_ =	shalt  }
tec
execute0_lowered:
.L_overlay_start_1:
0x0: {  	(tag) =	ssettag $0x1  }
0x1: {  	s3 =	stileid.u32  }
0x2: {  	s0 =	srdreg.scid;
	s30 =	rddreg [dreg:$0x0]  }
0x3: {  	_ =	strace $0x80000047;
	s4 =	simm.s32 $0x1;
	s31 =	simm.s32 $0x2  }
0x4: {  	s20 =	simm.s32 $0x0;
	s10 =	simm.s32 $0x6000;
	s11 =	simm.s32 $0x0  }
0x5: {  	s19 =	simm.s32 $0x0;
	s1 =	sshll.u32 s3, $0x1;
	s0 =	sshll.u32 s0, $0x5  }
0x6: {  	s21 =	simm.s32 $0x0;
	s12 =	simm.s32 $0x0;
	s0 =	sor.u32 s1, s0  }
0x7: {  	s13 =	simm.s32 $0x0;
	s14 =	simm.s32 $0x0;
	s2 =	sand.u32 $0x38, s0  }
.Ltmp0:
0x8: {  	s16 =	simm.s32 $0x0;
	s0 =	ssub.s32 $0xD8, s2;
	(pc) =	sbr.rel .LBB1_1-.Ltmp0, $4  }
0x9: {  	s18 =	simm.s32 $0x0;
	s27 =	simm.s32 $0x0;
	s0 =	sshrl.u32 s0, $0x6  }
0xa: {  	[sflag:s4] =	ssyncpa.u1 $0x0;
	s6 =	sand.u32 $0x3, s3;
	s0 =	smul.u32 $0xC, s0  }
0xb: {  	s5 =	sadd.s32 $0xA00, s30;
	[sflag:s31] =	ssyncpa.u1 $0x0;
	s17 =	smov.u32 s6  }
0xc: {  	s15 =	smov.u32 s2;
	s7 =	sadd.s32 $0xC, s0;
	s8 =	sadd.s32 $0xD, s0  }
.LBB1_7:
0xd: {  	p0 =	slt.u32 s18, $0x2;
	s0 =	smov.u32 s21  }
0xe: {  	s3 =	smov.u32 s20;
	s9 =	smov.u32 s19;
	p1 =	sgt.s32 @!p0 s21, $0x3  }
0xf: {  	s1 =	sshra.s32 @!p0 s21, $0x1F;
	p2 =	sgt.s32 @!p0 s19, $0x58;
	p1 =	por !p1, p0  }
0x10: {  	s1 =	sand.u32 @!p0 s1, s21;
	p2 =	por !p2, p0;
	s0 =	simm.s32 @p1 $0x3  }
0x11: {  	p1 =	sgt.s32 @!p0 s20, $0xD6;
	s0 =	ssub.s32 @!p0 s0, s1;
	s1 =	sshra.s32 @!p0 s20, $0x1F  }
0x12: {  	p1 =	por !p1, p0;
	s1 =	sand.u32 @!p0 s1, s20;
	s20 =	sshra.s32 @!p0 s19, $0x1F  }
0x13: {  	s9 =	simm.s32 @p2 $0x58;
	s3 =	simm.s32 @p1 $0xD6;
	s19 =	sand.u32 @!p0 s20, s19  }
0x14: {  	s0 =	sadd.s32 @!p0 $0xFFFFFFFD, s0;
	s1 =	ssub.s32 @!p0 s3, s1;
	s3 =	ssub.s32 @!p0 s9, s19  }
0x15: {  	p1 =	sgt.s32 @!p0 s0, $0x0;
	s0 =	sshll.u32 @!p0 s0, $0x8;
	s19 =	sadd.s32 @!p0 $0xFFFFFFA8, s3  }
0x16: {  	s9 =	sadd.s32 @!p0 $0xFFFFFF2A, s1;
	s0 =	ssub.s32 @!p0 $0x100, s0;
	p2 =	sgt.s32 @!p0 s19, $0x7  }
0x17: {  	p1 =	por !p1, p0;
	s3 =	ssub.s32 @!p0 $0x60, s3;
	p2 =	por !p2, p0  }
0x18: {  	s0 =	simm.s32 @!p1 $0x0;
	s3 =	simm.s32 @!p2 $0x0;
	p2 =	sgt.s32 @!p0 s9, $0x7  }
0x19: {  	s1 =	ssub.s32 @!p0 $0xDE, s1;
	p1 =	por !p2, p0;
	s0 =	smul.u32 @!p0 s3, s0  }
0x1a: {  	s1 =	simm.s32 @!p1 $0x0  }
0x1b: {  	s0 =	smul.u32 @!p0 s1, s0;
	s1 =	sadd.s32 $0x40, s15  }
0x1c: {  	s9 =	smov.u32 s16;
	s3 =	sadd.s32 $0x8, s16;
	p1 =	sgt.s32 s1, $0xDD  }
0x1d: {  	s9 =	smov.u32 @p1 s3  }
0x1e: {  	s23 =	smov.u32 s17;
	s3 =	sadd.s32 $0x4, s17;
	p2 =	sgt.s32 s9, $0x5F  }
0x1f: {  	s11 =	sadd.s32 $0x4000, s11;
	s22 =	simm.s32 @!p0 $0x2;
	s23 =	smov.u32 @p2 s3  }
0x20: {  	s21 =	smov.u32 s14;
	s1 =	smov.u32 @p1 s2;
	p1 =	sgt.s32 s23, $0x3  }
0x21: {  	s14 =	smov.u32 s17;
	s23 =	smov.u32 @p1 s6;
	p1 =	sne.s32 s18, s8  }
.Ltmp1:
0x22: {  	s20 =	smov.u32 s12;
	s0 =	sand.u32 @!p0 $0x3FFFFF00, s0;
	(pc) =	sbr.rel @!p1 .LBB1_8-.Ltmp1, $4  }
0x23: {  	s12 =	smov.u32 s15;
	s19 =	smov.u32 s13;
	_ =	swait.ge @!p0 [sflag:s22], s0  }
0x24: {  	s13 =	smov.u32 s16;
	s0 =	ssub.s32 @!p0 $0x0, s0;
	[sflag:s22] =	ssyncset.done @!p0 $0x0  }
0x25: {  	s15 =	smov.u32 s1;
	s9 =	simm.s32 @p2 $0x0;
	[sflag:s22] =	ssyncadd.s32 @!p0 s0  }
0x26: {  	s16 =	smov.u32 s9;
	s18 =	sadd.s32 $0x1, s18;
	s17 =	smov.u32 s23  }
.LBB1_1:
0x27: {  	p0 =	sge.u32 s18, s7  }
0x28: {  	s0 =	sshll.u32 @!p0 s15, $0x8;
	s1 =	sshll.u32 @!p0 s15, $0x7  }
0x29: {  	s0 =	sand.u32 @!p0 $0xFFFFF800, s0;
	s1 =	sand.u32 @!p0 $0x300, s1  }
0x2a: {  	s0 =	sor.u32 @!p0 s1, s0  }
0x2b: {  	s0 =	sshrl.u32 @!p0 s0, $0x8  }
0x2c: {  	s1 =	smulhi.u32 @!p0 $0x124924A, s0  }
0x2d: {  	s3 =	smul.u32 @!p0 $0xA8000, s17  }
0x2e: {  	s1 =	smul.u32 @!p0 $0xE0, s1  }
0x2f: {  	s9 =	sxor.u32 @!p0 $0xFFFFFFFF, s18;
	s22 =	smul.u32 @!p0 $0x1C00, s16  }
0x30: {  	s3 =	sadd.s32 @!p0 s5, s3;
	s0 =	ssub.s32 @!p0 s0, s1;
	s1 =	sshll.u32 @!p0 s15, $0x4  }
0x31: {  	s9 =	sshll.u32 @!p0 s9, $0xE;
	s3 =	sadd.s32 @!p0 s22, s3;
	s1 =	sand.u32 @!p0 $0x10, s1  }
0x32: {  	s9 =	sand.u32 @!p0 $0x4000, s9;
	s0 =	sshll.u32 @!p0 s0, $0x5;
	s1 =	sadd.s32 @!p0 s1, s3  }
0x33: {  	s3 =	simm.s32 @!p0 $0xE000;
	s0 =	sadd.s32 @!p0 s0, s1;
	s1 =	simm.s32 @!p0 $0x800  }
0x34: {  	[tilespmem:s9], [sflag:$0x1] =	stream.strided.gather @!p0 [hbm4b:s0+s1], $0x4000, s3, s1, $0x38;
	[tilespmem:$0x10000] =	vst v63  }
0x35: {  	p0 =	seq.s32 s18, $0x0  }
0x36: {  	p1 =	sge.u32 @!p0 s18, s8  }
0x37: {  	p0 =	por p0, p1  }
.Ltmp2:
0x38: {  	_ = 	snop;
	(pc) =	sbr.rel @p0 .LBB1_7-.Ltmp2, $1  }
0x39: {  	_ =	sdelay $0x3  }
0x3a: {  	s0 =	sshll.u32 s11, $0x2;
	_ =	swait.ge [sflag:s4], $0x4000;
	s3 =	sshll.u32 s18, $0xE  }
0x3b: {  	p0 =	por $0x0, $0x0;
	s28 =	simm.s32 $0x0;
	s29 =	simm.s32 $0x0  }
0x3c: {  	s0 =	sand.u32 $0x10000, s0;
	[sflag:s4] =	ssyncset.done $0x0;
	s25 =	sand.u32 $0x4000, s3  }
0x3d: {  	s0 =	sshrl.u32 s0, $0x2;
	[sflag:s4] =	ssyncadd.s32 $0xFFFFC000;
	s22 =	sor.u32 $0x8000, s25  }
0x3e: {  	s23 =	sor.u32 $0x40, s0;
	s1 =	sor.u32 $0x8410, s0;
	s26 =	sadd.s32 $0x8400, s0  }
.LBB1_3:
0x3f: {  	v1 =	vld [tilespmem:s23+$0xFFFFFFD0]  }
0x40: {  	v2 =	vld [tilespmem:s23+$0x430]  }
0x41: {  	s0 =	sshll.u32 s29, $0xB;
	v4 =	vld [tilespmem:s23+$0xFFFFFFE0]  }
0x42: {  	v7 =	vld [tilespmem:s23+$0xFFFFFFF0];
	v0 =	vmov s0  }
0x43: {  	v8 =	vld [tilespmem:s23+$0x0]  }
0x44: {  	s9 =	sand.u32 $0x300, s27;
	v9 =	vld [tilespmem:s23+$0x10]  }
0x45: {  	s3 =	sand.u32 $0x80, s27;
	v10 =	vld [tilespmem:s23+$0x20];
	s0 =	sadd.s32 s9, s25  }
0x46: {  	v11 =	vld [tilespmem:s23+$0x30];
	s0 =	sadd.s32 s3, s0;
	s3 =	simm.s32 $0x1;
	[tilespmem:s1+$0x60] =	vst v2  }
0x47: {  	s24 =	sshll.u32 s28, $0x2;
	s3 =	simm.s32 @!p0 $0x0;
	[tilespmem:s1+$0xFFFFFC00] =	vst v1;
	v3 =	vld.idx.msk [tilespmem:v0+s0+$0x400 ss:$0x1], $0xffff  }
0x48: {  	v6 =	vld [tilespmem:s23+$0x3D0];
	s3 =	sshll.u32 s3, $0x9;
	[tilespmem:s1+$0xFFFFFC10] =	vst v4;
	s0 =	sand.u32 $0xFFFFFC00, s24  }
0x49: {  	v5 =	vld [tilespmem:s23+$0x3E0];
	[tilespmem:s1+$0xFFFFFC20] =	vst v7;
	s0 =	sor.u32 s3, s0  }
0x4a: {  	[tilespmem:s1+$0xFFFFFC30] =	vst v8;
	v4 =	vld [tilespmem:s23+$0x400];
	s0 =	sshrl.u32 s0, $0x2  }
0x4b: {  	[tilespmem:s1+$0xFFFFFC40] =	vst v9;
	v1 =	vld [tilespmem:s23+$0x410];
	s30 =	sadd.s32 s0, s26  }
0x4c: {  	[tilespmem:s30+$0x0] =	vst v3;
	v3 =	vld [tilespmem:s23+$0x3F0]  }
0x4d: {  	s31 =	sadd.s32 $0x80, s23;
	[tilespmem:s1+$0xFFFFFC50] =	vst v10;
	v2 =	vld [tilespmem:s23+$0x420];
	s3 =	simm.s32 $0x80  }
0x4e: {  	v7 =	vld [tilespmem:s23+$0xFFFFFFC0];
	[tilespmem:s1+$0xFFFFFC60] =	vst v11;
	s24 =	smov.u32 s1;
	s9 =	sand.u32 $0x300, s3;
	s0 =	simm.s32 $0x100  }
.LBB1_4:
0x4f: {  	p1 =	sne.s32 s0, $0x380;
	v8 =	vld [tilespmem:s31+$0xFFFFFFD0];
	s3 =	sand.u32 $0x80, s3;
	s9 =	sadd.s32 s9, s25;
	[tilespmem:s24+$0x0] =	vst v6  }
0x50: {  	s9 =	sadd.s32 s3, s9;
	v6 =	vld [tilespmem:s31+$0x430];
	[tilespmem:s24+$0x10] =	vst v5;
	s3 =	smov.u32 s0  }
0x51: {  	v5 =	vld.idx.msk [tilespmem:v0+s9+$0x400 ss:$0x1], $0xffff;
	[tilespmem:s24+$0x20] =	vst v3  }
0x52: {  	v3 =	vld [tilespmem:s31+$0xFFFFFFE0];
	[tilespmem:s24+$0x30] =	vst v4  }
0x53: {  	v4 =	vld [tilespmem:s31+$0xFFFFFFF0];
	[tilespmem:s24+$0xFFFFFBF0] =	vst v7  }
0x54: {  	v7 =	vld [tilespmem:s31+$0x0];
	[tilespmem:s24+$0x40] =	vst v1  }
0x55: {  	v1 =	vld [tilespmem:s31+$0x10];
	[tilespmem:s24+$0x50] =	vst v2;
	s24 =	sadd.s32 $0x800, s24  }
0x56: {  	s30 =	sadd.s32 $0x800, s30;
	v2 =	vld [tilespmem:s31+$0x20];
	[tilespmem:s24+$0x60] =	vst v6  }
0x57: {  	v9 =	vld [tilespmem:s31+$0x30];
	[tilespmem:s30+$0x0] =	vst v5  }
0x58: {  	[tilespmem:s24+$0xFFFFFC00] =	vst v8;
	v6 =	vld [tilespmem:s31+$0x3D0]  }
0x59: {  	[tilespmem:s24+$0xFFFFFC10] =	vst v3;
	v5 =	vld [tilespmem:s31+$0x3E0]  }
.Ltmp3:
0x5a: {  	[tilespmem:s24+$0xFFFFFC20] =	vst v4;
	v3 =	vld [tilespmem:s31+$0x3F0];
	(pc) =	sbr.rel @p1 .LBB1_4-.Ltmp3, $4  }
0x5b: {  	[tilespmem:s24+$0xFFFFFC30] =	vst v7;
	v4 =	vld [tilespmem:s31+$0x400]  }
0x5c: {  	[tilespmem:s24+$0xFFFFFC40] =	vst v1;
	v1 =	vld [tilespmem:s31+$0x410]  }
0x5d: {  	[tilespmem:s24+$0xFFFFFC50] =	vst v2;
	v2 =	vld [tilespmem:s31+$0x420]  }
0x5e: {  	s0 =	sadd.s32 $0x80, s0;
	s9 =	sand.u32 $0x300, s3;
	v7 =	vld [tilespmem:s31+$0xFFFFFFC0];
	[tilespmem:s24+$0xFFFFFC60] =	vst v9;
	s31 =	sadd.s32 $0x80, s31  }
0x5f: {  	[tilespmem:s24+$0x0] =	vst v6  }
0x60: {  	[tilespmem:s24+$0x10] =	vst v5  }
0x61: {  	v49 =	vld [tilespmem:s31+$0x430];
	[tilespmem:s24+$0x20] =	vst v3  }
0x62: {  	v50 =	vld [tilespmem:s31+$0xFFFFFFD0];
	[tilespmem:s24+$0x30] =	vst v4  }
0x63: {  	v51 =	vld [tilespmem:s31+$0xFFFFFFE0];
	[tilespmem:s24+$0x40] =	vst v1  }
0x64: {  	v52 =	vld [tilespmem:s31+$0xFFFFFFF0];
	[tilespmem:s24+$0x50] =	vst v2  }
0x65: {  	v53 =	vld [tilespmem:s31+$0x0];
	[tilespmem:s24+$0xFFFFFBF0] =	vst v7;
	s24 =	sadd.s32 $0x800, s24  }
0x66: {  	v54 =	vld [tilespmem:s31+$0x10];
	[tilespmem:s24+$0x60] =	vst v49  }
0x67: {  	v55 =	vld [tilespmem:s31+$0x20];
	[tilespmem:s24+$0xFFFFFC00] =	vst v50  }
0x68: {  	v56 =	vld [tilespmem:s31+$0x30];
	[tilespmem:s24+$0xFFFFFC10] =	vst v51  }
0x69: {  	v57 =	vld [tilespmem:s31+$0x3D0];
	[tilespmem:s24+$0xFFFFFC20] =	vst v52  }
0x6a: {  	v58 =	vld [tilespmem:s31+$0x3E0];
	[tilespmem:s24+$0xFFFFFC30] =	vst v53  }
0x6b: {  	v59 =	vld [tilespmem:s31+$0x3F0];
	[tilespmem:s24+$0xFFFFFC40] =	vst v54  }
0x6c: {  	v60 =	vld [tilespmem:s31+$0x400];
	[tilespmem:s24+$0xFFFFFC50] =	vst v55  }
0x6d: {  	v61 =	vld [tilespmem:s31+$0xFFFFFFC0];
	[tilespmem:s24+$0xFFFFFC60] =	vst v56  }
0x6e: {  	s0 =	sand.u32 $0x80, s3;
	s9 =	sadd.s32 s9, s25;
	v62 =	vld [tilespmem:s31+$0x410];
	[tilespmem:s24+$0x0] =	vst v57  }
0x6f: {  	v63 =	vld [tilespmem:s31+$0x420];
	s29 =	sadd.s32 $0x1, s29;
	s0 =	sadd.s32 s0, s9;
	[tilespmem:s24+$0x10] =	vst v58  }
0x70: {  	p1 =	sne.s32 s29, $0x8;
	v0 =	vld.idx.msk [tilespmem:v0+s0+$0x400 ss:$0x1], $0xffff;
	[tilespmem:s24+$0x20] =	vst v59  }
.Ltmp4:
0x71: {  	[tilespmem:s24+$0x30] =	vst v60;
	(pc) =	sbr.rel @p1 .LBB1_3-.Ltmp4, $4  }
0x72: {  	[tilespmem:s24+$0xFFFFFBF0] =	vst v61  }
0x73: {  	[tilespmem:s24+$0x40] =	vst v62  }
0x74: {  	s30 =	sadd.s32 $0x800, s30;
	s23 =	sadd.s32 $0x800, s23;
	[tilespmem:s24+$0x50] =	vst v63  }
0x75: {  	s28 =	sadd.s32 $0x80, s28;
	p0 =	por !p0, !p0;
	s1 =	sadd.s32 $0x80, s1;
	[tilespmem:s30+$0x0] =	vst v0  }
0x76: {  	s0 =	sshll.u32 s13, $0x8;
	s1 =	sshll.u32 s13, $0x7  }
0x77: {  	p0 =	sgt.s32 s14, $0x3;
	s9 =	sshra.s32 s14, $0x1F;
	s23 =	smov.u32 s13  }
0x78: {  	s24 =	sshra.s32 s13, $0x1F;
	p1 =	sgt.s32 s12, $0xD6;
	s26 =	smul.u32 $0xA6800, s14  }
0x79: {  	s31 =	sshra.s32 s12, $0x1F;
	s28 =	smul.u32 $0xC00, s12;
	s0 =	sand.u32 $0xFFFFF800, s0  }
0x7a: {  	s1 =	sand.u32 $0x300, s1;
	s9 =	sand.u32 s9, s14;
	s29 =	sand.u32 s24, s13  }
0x7b: {  	s24 =	sand.u32 s31, s12;
	s0 =	sor.u32 s1, s0;
	s1 =	smov.u32 s14  }
0x7c: {  	s0 =	sshrl.u32 s0, $0x8;
	s1 =	simm.s32 @!p0 $0x3;
	p0 =	sgt.s32 s13, $0x58  }
0x7d: {  	s3 =	smulhi.u32 $0x2AAAAAB, s0;
	s1 =	ssub.s32 s1, s9;
	s23 =	simm.s32 @!p0 $0x58  }
0x7e: {  	s1 =	sadd.s32 $0xFFFFFFFD, s1;
	s9 =	ssub.s32 s23, s29;
	s23 =	smov.u32 s12  }
0x7f: {  	s29 =	sshll.u32 s13, $0x4;
	s3 =	smul.u32 $0x60, s3;
	p0 =	sgt.s32 s1, $0x0  }
0x80: {  	s30 =	sadd.s32 $0xFFFFFFA8, s9;
	s23 =	simm.s32 @!p1 $0xD6;
	s1 =	sshll.u32 s1, $0x8  }
0x81: {  	s9 =	ssub.s32 $0x60, s9;
	p1 =	sgt.s32 s30, $0x7;
	s1 =	ssub.s32 $0x100, s1  }
0x82: {  	s23 =	ssub.s32 s23, s24;
	s9 =	simm.s32 @p1 $0x0;
	s1 =	simm.s32 @p0 $0x0  }
0x83: {  	s0 =	ssub.s32 s0, s3;
	s25 =	sadd.s32 $0xFFFFFF2A, s23;
	s3 =	ssub.s32 $0xDE, s23  }
0x84: {  	s1 =	smul.u32 s9, s1;
	p0 =	sgt.s32 s25, $0x7;
	s25 =	rddreg [dreg:$0x1]  }
.Ltmp5:
0x85: {  	s3 =	simm.s32 @p0 $0x0;
	s9 =	sadd.s32 s25, s26;
	(pc) =	sbr.rel .LBB1_7-.Ltmp5, $4  }
0x86: {  	s30 =	sand.u32 $0x10, s29;
	s1 =	smul.u32 s3, s1;
	s9 =	sadd.s32 s28, s9  }
0x87: {  	s0 =	sshll.u32 s0, $0x5;
	s3 =	sadd.s32 s30, s9  }
0x88: {  	s31 =	simm.s32 $0x800;
	s1 =	sand.u32 $0x3FFFFF00, s1;
	s0 =	sadd.s32 s0, s3  }
0x89: {  	[hbm4b:s0+s31] =	stream.strided.scatter [tilespmem:s22], [sflag:$0x2], s1, s10, s31, $0x38;
	[tilespmem:$0x10000] =	vst v63  }
.LBB1_8:
0x8a: {  	_ =	sfence.sel $0x180000  }
0x8b: {  	s0 =	simm.s32 $0x1;
	[bflag:$0x0] =	sbarrier.arrive $0xFFFF  }
0x8c: {  	s30 =	simm.s32 $0x2;
	[sflag:s0] =	ssyncpa.u1 $0x1  }
0x8d: {  	[sflag:s30] =	ssyncpa.u1 $0x1  }
0x8e: {  	_ =	strace $0x90000047  }
0x8f: {  	s31 =	stileid.u32;
	[bflag:$0x2] =	sbarrier.arrive $0xFFFF  }
0x90: {  	p0 =	sne.s32 s31, $0x0;
	s0 =	rddreg [dreg:$0x2]  }
0x91: {  	s0 =	sadd.s32 @!p0 $0x100000, s0  }
0x92: {  	[sflag:s0] =	ssyncadd.tile.s32 @!p0 $0x1;
	_ =	shalt  }
.Lfunc_end1:
_tile_overlayer_lowered:
.L_overlay_start_2:
0x93: {  	(tag) =	ssettag $0x2  }
0x94: {  	s0 =	rddreg [dreg:$0x0];
	s2 =	stileid.u32  }
0x95: {  	s1 =	rddreg [dreg:$0x1];
	p0 =	sne.s32 s2, $0x0  }
0x96: {  	s3 =	rddreg [dreg:$0x2];
	[bflag:$0x3] =	sbarrier.arrive $0xFFFF;
	s2 =	simm.s32 @!p0 $0x1C01  }
0x97: {  	[timem:s3], [sflag:s2] =	dma.local @!p0 [hbm:s0], s1  }
0x98: {  	s0 =	simm.s32 @!p0 $0x1  }
0x99: {  	_ =	swait.ge @!p0 [sflag:s0], s1  }
0x9a: {  	s1 =	ssub.s32 @!p0 $0x0, s1;
	[sflag:s0] =	ssyncset.done @!p0 $0x0  }
0x9b: {  	[sflag:s0] =	ssyncadd.s32 @!p0 s1  }
0x9c: {  	[bflag:$0x3] =	sbarrier.arrive $0xFFFF  }
0x9d: {  	_ =	shalt  }

</sc_bundles>
